<compile_context>
chip_gen: v7x
topology: tpu7x:2x2x1
jax: 0.10.2.dev20260603
libtpu: 0.0.44.dev20260713+nightly
codegen_flags: <defaults>
</compile_context>

<pallas_src>
import jax
import jax.numpy as jnp
from jax.experimental import pallas as pl
from jax.experimental.pallas import tpu as pltpu
from jax.experimental.pallas import tpu_sc as plsc

_NE = 8
_D = 2048
_FF = 4096
_JITTER = 0.01
_BF = 512
_NFB = _FF // _BF
_BH = _BF // 2
_T = 256
_SC_LANES = 16


def _router_tc_kernel(x_ref, gw_ref, logits_ref, logits_t_ref):
    xb = x_ref[...].astype(jnp.bfloat16)
    logits = jax.lax.dot_general(
        xb, gw_ref[...].astype(jnp.bfloat16), (((1,), (1,)), ((), ())),
        preferred_element_type=jnp.float32)
    logits_ref[...] = logits
    logits_t_ref[...] = logits.T


def _sc_sparsemixer_body(in_ref, out_ref):
    neg_inf = jnp.float32(-jnp.inf)
    thr = jnp.float32(2 * _JITTER)

    @pl.loop(0, 128, step=_SC_LANES)
    def _(c):
        s = [in_ref[e, pl.ds(c, _SC_LANES)] for e in range(_NE)]
        max_val = s[0]
        for e in range(1, _NE):
            max_val = jnp.maximum(max_val, s[e])
        oh1 = [s[e] >= max_val for e in range(_NE)]
        zero = jnp.zeros_like(max_val)
        ninf = zero + neg_inf

        e1 = []
        for e in range(_NE):
            mask1 = (max_val - s[e]) / jnp.maximum(jnp.abs(s[e]), max_val) > thr
            mg = jnp.where(mask1, ninf, s[e])
            e1.append(jnp.exp(mg - max_val))
        den1 = e1[0]
        for e in range(1, _NE):
            den1 = den1 + e1[e]
        mult1 = zero
        for e in range(_NE):
            mult1 = mult1 + jnp.where(oh1[e], e1[e], zero)
        mult1 = mult1 / den1

        ms = [jnp.where(oh1[e], ninf, s[e]) for e in range(_NE)]
        max_val2 = ms[0]
        for e in range(1, _NE):
            max_val2 = jnp.maximum(max_val2, ms[e])
        oh2 = [ms[e] >= max_val2 for e in range(_NE)]
        e2 = []
        for e in range(_NE):
            mask2 = ((max_val2 - s[e])
                     / jnp.maximum(jnp.abs(s[e]), max_val2) > thr)
            mg2 = jnp.where(mask2, ninf, ms[e])
            e2.append(jnp.exp(mg2 - max_val2))
        den2 = e2[0]
        for e in range(1, _NE):
            den2 = den2 + e2[e]
        mult2 = zero
        for e in range(_NE):
            mult2 = mult2 + jnp.where(oh2[e], e2[e], zero)
        mult2 = mult2 / den2

        for e in range(_NE):
            w_e = (jnp.where(oh1[e], mult1, zero)
                   + jnp.where(oh2[e], mult2, zero))
            out_ref[e, pl.ds(c, _SC_LANES)] = w_e


def _sc_sparsemixer(logits_t):
    mesh = plsc.VectorSubcoreMesh(core_axis_name="c", subcore_axis_name="s")

    @pl.kernel(out_type=jax.ShapeDtypeStruct((_NE, _T), jnp.float32),
               mesh=mesh, scratch_types=[])
    def _run(logits_hbm, w_hbm):
        pltpu.emit_pipeline(
            _sc_sparsemixer_body,
            grid=(_T // 128,),
            in_specs=[pl.BlockSpec((_NE, 128), lambda i: (0, i))],
            out_specs=[pl.BlockSpec((_NE, 128), lambda i: (0, i))],
            core_axis_name=("c", "s"),
            dimension_semantics=(pltpu.PARALLEL,),
        )(logits_hbm, w_hbm)

    return _run(logits_t)


def _moe_kernel(x_ref, wt_ref, gup_g0_ref, gup_g1_ref, gup_u0_ref,
                gup_u1_ref, dn0_ref, dn1_ref,
                out_ref, w_sc, xb_sc):
    e = pl.program_id(0)
    fb = pl.program_id(1)

    @pl.when(jnp.logical_and(e == 0, fb == 0))
    def _prep():
        xb_sc[...] = x_ref[...].astype(jnp.bfloat16)
        w_sc[...] = wt_ref[...].T

    xb = xb_sc[...]
    dn = (((1,), (1,)), ((), ()))
    lane = jax.lax.broadcasted_iota(jnp.int32, (1, _NE), 1)
    wcol = jnp.sum(jnp.where(lane == e, w_sc[...], 0.0), axis=-1,
                   keepdims=True)

    def _half(g_ref, u_ref):
        g = jax.lax.dot_general(xb, g_ref[0].astype(jnp.bfloat16), dn,
                                preferred_element_type=jnp.float32)
        u = jax.lax.dot_general(xb, u_ref[0].astype(jnp.bfloat16), dn,
                                preferred_element_type=jnp.float32)
        return g * jax.nn.sigmoid(g) * u * wcol

    hb = jnp.concatenate(
        [_half(gup_g0_ref, gup_u0_ref),
         _half(gup_g1_ref, gup_u1_ref)], axis=1).astype(jnp.bfloat16)
    y = jnp.concatenate(
        [jax.lax.dot_general(hb, dn0_ref[0].astype(jnp.bfloat16), dn,
                             preferred_element_type=jnp.float32),
         jax.lax.dot_general(hb, dn1_ref[0].astype(jnp.bfloat16), dn,
                             preferred_element_type=jnp.float32)], axis=1)

    @pl.when(jnp.logical_and(e == 0, fb == 0))
    def _init():
        out_ref[...] = y

    @pl.when(jnp.logical_or(e != 0, fb != 0))
    def _acc():
        out_ref[...] += y


def kernel(hidden_states, gate_w, gate_up_weights, down_weights):
    B, S, d = hidden_states.shape
    T = B * S
    x = hidden_states.reshape(T, d)

    logits, logits_t = pl.pallas_call(
        _router_tc_kernel,
        out_shape=[
            jax.ShapeDtypeStruct((T, _NE), jnp.float32),
            jax.ShapeDtypeStruct((_NE, T), jnp.float32),
        ],
    )(x, gate_w)

    w_t = _sc_sparsemixer(logits_t)

    out = pl.pallas_call(
        _moe_kernel,
        grid=(_NE, _NFB),
        in_specs=[
            pl.BlockSpec((T, _D), lambda e, f: (0, 0)),
            pl.BlockSpec((_NE, T), lambda e, f: (0, 0)),
            pl.BlockSpec((1, _BH, _D), lambda e, f: (e, 2 * f, 0)),
            pl.BlockSpec((1, _BH, _D), lambda e, f: (e, 2 * f + 1, 0)),
            pl.BlockSpec((1, _BH, _D),
                         lambda e, f: (e, 2 * _NFB + 2 * f, 0)),
            pl.BlockSpec((1, _BH, _D),
                         lambda e, f: (e, 2 * _NFB + 2 * f + 1, 0)),
            pl.BlockSpec((1, _D // 2, _BF), lambda e, f: (e, 0, f)),
            pl.BlockSpec((1, _D // 2, _BF), lambda e, f: (e, 1, f)),
        ],
        out_specs=pl.BlockSpec((T, _D), lambda e, f: (0, 0)),
        out_shape=jax.ShapeDtypeStruct((T, _D), jnp.float32),
        scratch_shapes=[
            pltpu.VMEM((T, _NE), jnp.float32),
            pltpu.VMEM((T, _D), jnp.bfloat16),
        ],
    )(x, w_t, gate_up_weights, gate_up_weights, gate_up_weights,
      gate_up_weights, down_weights, down_weights)

    return out.reshape(B, S, d), logits

# --- scband reference (transcript-rebuilt; emitter-appended) ---
"""Pipeline reference for scband-patched-phi-mo-esparse-moe-block-59055800320749 (READ-ONLY COPY).

The authoritative reference and input builder live on the scoring server;
editing this copy changes nothing except your own understanding.
"""

import jax, jax.numpy as jnp
import numpy as np

NUM_EXPERTS = 8
D_MODEL = 2048
D_FF = 4096
JITTER_EPS = 0.01


def sparsemixer(scores, jitter_eps):
    T, E = scores.shape
    # top-1
    max_val = jnp.max(scores, axis=-1, keepdims=True)
    max_ind = jnp.argmax(scores, axis=-1)
    factor = jnp.maximum(jnp.abs(scores), max_val)
    mask1 = jax.lax.stop_gradient((max_val - scores) / factor > 2 * jitter_eps)
    masked_gates = jnp.where(mask1, -jnp.inf, scores)
    mg = jax.nn.softmax(masked_gates, axis=-1)
    mult1 = jnp.take_along_axis(mg, max_ind[:, None], axis=-1)
    # mask out top-1 expert and take top-2
    oh1 = jax.nn.one_hot(max_ind, E, dtype=bool)
    masked_scores = jnp.where(oh1, -jnp.inf, scores)
    max_val2 = jnp.max(masked_scores, axis=-1, keepdims=True)
    max_ind2 = jnp.argmax(masked_scores, axis=-1)
    factor2 = jnp.maximum(jnp.abs(scores), max_val2)
    mask2 = jax.lax.stop_gradient((max_val2 - scores) / factor2 > 2 * jitter_eps)
    masked_gates2 = jnp.where(mask2, -jnp.inf, masked_scores)
    mg2 = jax.nn.softmax(masked_gates2, axis=-1)
    mult2 = jnp.take_along_axis(mg2, max_ind2[:, None], axis=-1)
    multipliers = jnp.concatenate([mult1, mult2], axis=-1)
    experts = jnp.stack([max_ind, max_ind2], axis=-1)
    return multipliers, experts


def fused_moe(x, gate_up_weights, down_weights, routing_weights, selected_experts):
    T, d = x.shape
    E = gate_up_weights.shape[0]
    ffn = down_weights.shape[2]
    out = jnp.zeros((T, d), dtype=x.dtype)
    for e in range(E):
        gu = x @ gate_up_weights[e].T
        g = gu[:, :ffn]
        u = gu[:, ffn:]
        h = jax.nn.silu(g) * u
        y = h @ down_weights[e].T
        w_e = jnp.sum(routing_weights * (selected_experts == e).astype(x.dtype), axis=-1)
        out = out + w_e[:, None] * y
    return out


def setup_inputs(seed: int = 0) -> dict:
    key = jax.random.key(seed)
    k0, k1, k2, k3 = jax.random.split(key, 4)
    hidden_states = jax.random.normal(k0, (64, 4, D_MODEL), dtype=jnp.float32)
    gate_w = jax.random.normal(k1, (NUM_EXPERTS, D_MODEL), dtype=jnp.float32) * 0.02
    gate_up_weights = jax.random.normal(k2, (NUM_EXPERTS, 2 * D_FF, D_MODEL), dtype=jnp.float32) * 0.02
    down_weights = jax.random.normal(k3, (NUM_EXPERTS, D_MODEL, D_FF), dtype=jnp.float32) * 0.02
    return {
        "hidden_states": hidden_states,
        "gate_w": gate_w,
        "gate_up_weights": gate_up_weights,
        "down_weights": down_weights,
    }


def reference(hidden_states, gate_w, gate_up_weights, down_weights):
    B, S, d = hidden_states.shape
    hs = hidden_states.reshape(-1, d)
    router_logits = hs @ gate_w.T
    routing_weights, selected_experts = sparsemixer(router_logits, JITTER_EPS)
    out = fused_moe(hs, gate_up_weights, down_weights, routing_weights, selected_experts)
    out_states = out.reshape(B, S, -1)
    return (out_states, router_logits)

if __name__ == "__main__":
    import jax
    _d = setup_inputs()
    print(jax.jit(kernel)(*tuple(_d.values())))

</pallas_src>

<mosaic_0001>
#map = affine_map<(d0, d1) -> (0, 0)>
module attributes {stable_mosaic.version = 14 : i64} {
  func.func @_run(%arg0: i32, %arg1: i32, %arg2: memref<8x256xf32, #tpu.memory_space<hbm>>, %arg3: memref<8x256xf32, #tpu.memory_space<hbm>>) attributes {dimension_semantics = [#tpu.dimension_semantics<core_parallel>, #tpu.dimension_semantics<subcore_parallel>], iteration_bounds = array<i64: 2, 16>, scalar_prefetch = 0 : i64, scratch_operands = 0 : i64, tpu.core_type = #tpu.core_type<sc_vector_subcore>, window_params = [{transform_indices = #map}, {transform_indices = #map}]} {
    %mul3A = arith.constant 1 : i32
    %mul3A_0 = arith.muli %arg1, %mul3A : i32
    %add3A = arith.constant 0 : i32
    %add3A_1 = arith.addi %add3A, %mul3A_0 : i32
    %mul3A_2 = arith.constant 16 : i32
    %mul3A_3 = arith.muli %arg0, %mul3A_2 : i32
    %add3A_4 = arith.addi %add3A_1, %mul3A_3 : i32
    %lt3A = arith.constant 2 : i32
    %lt3A_5 = arith.cmpi slt, %add3A_4, %lt3A : i32
    %jit3A = arith.constant 1 : i32
    %jit3A_6 = arith.constant 0 : i32
    %select_n3A = arith.select %lt3A_5, %jit3A, %jit3A_6 : i32
    %lt3A_7 = arith.constant 2 : i32
    %lt3A_8 = arith.cmpi slt, %add3A_4, %lt3A_7 : i32
    %mul3A_9 = arith.muli %add3A_4, %select_n3A : i32
    %mul3A_10 = arith.constant 0 : i32
    %mul3A_11 = arith.muli %add3A_4, %mul3A_10 : i32
    %add3A_12 = arith.constant 2 : i32
    %add3A_13 = arith.addi %mul3A_11, %add3A_12 : i32
    %select_n3A_14 = arith.select %lt3A_8, %mul3A_9, %add3A_13 : i32
    %mul3A_15 = arith.constant 1 : i32
    %mul3A_16 = arith.muli %mul3A_15, %select_n3A : i32
    "tpu.region"() ({
      %run_scoped3A = memref.alloca() : memref<2x8x128xf32, #tpu.memory_space<vmem>>
      %run_scoped3A_17 = tpu.sem_alloc : memref<2x!tpu.dma_semaphore, #tpu.memory_space<semaphore_mem>>
      %run_scoped3A_18 = memref.alloca() : memref<2x8x128xf32, #tpu.memory_space<vmem>>
      %run_scoped3A_19 = tpu.sem_alloc : memref<2x!tpu.dma_semaphore, #tpu.memory_space<semaphore_mem>>
      %gt3A = arith.constant 0 : i32
      %gt3A_20 = arith.cmpi sgt, %mul3A_16, %gt3A : i32
      %convert_element_type3A = arith.extui %gt3A_20 : i1 to i32
      %cond3A = arith.constant 0 : i32
      %cond3A_21 = arith.cmpi ne, %convert_element_type3A, %cond3A : i32
      scf.if %cond3A_21 {
        %mul3A_22 = arith.constant 1 : i32
        %mul3A_23 = arith.muli %mul3A_22, %select_n3A : i32
        %sub3A = arith.constant 1 : i32
        %sub3A_24 = arith.subi %mul3A_23, %sub3A : i32
        %eq3A = arith.constant 0 : i32
        %eq3A_25 = arith.cmpi eq, %sub3A_24, %eq3A : i32
        %add3A_26 = arith.constant 0 : i32
        %add3A_27 = arith.addi %add3A_26, %select_n3A_14 : i32
        %select_n3A_28 = arith.constant true
        %select_n3A_29 = arith.constant 0 : i32
        %select_n3A_30 = arith.constant -1 : i32
        %select_n3A_31 = arith.select %select_n3A_28, %select_n3A_30, %select_n3A_29 : i32
        %eq3A_32 = arith.constant -1 : i32
        %eq3A_33 = arith.cmpi eq, %select_n3A_31, %eq3A_32 : i32
        %sub3A_34 = arith.constant 1 : i32
        %sub3A_35 = arith.subi %select_n3A, %sub3A_34 : i32
        %select_n3A_36 = arith.select %eq3A_33, %sub3A_35, %select_n3A_31 : i32
        %add3A_37 = arith.addi %select_n3A_36, %select_n3A_14 : i32
        %select_n3A_38 = arith.constant true
        %select_n3A_39 = arith.constant 0 : i32
        %select_n3A_40 = arith.constant 1 : i32
        %select_n3A_41 = arith.select %select_n3A_38, %select_n3A_40, %select_n3A_39 : i32
        %eq3A_42 = arith.cmpi eq, %select_n3A_41, %select_n3A : i32
        %select_n3A_43 = arith.constant 0 : i32
        %select_n3A_44 = arith.select %eq3A_42, %select_n3A_43, %select_n3A_41 : i32
        %add3A_45 = arith.addi %select_n3A_44, %select_n3A_14 : i32
        %add3A_46 = arith.constant 1 : i32
        %add3A_47 = arith.addi %select_n3A_44, %add3A_46 : i32
        %select_n3A_48 = arith.constant true
        %select_n3A_49 = arith.select %select_n3A_48, %add3A_47, %select_n3A_44 : i32
        %eq3A_50 = arith.cmpi eq, %select_n3A_49, %select_n3A : i32
        %select_n3A_51 = arith.constant 0 : i32
        %select_n3A_52 = arith.select %eq3A_50, %select_n3A_51, %select_n3A_49 : i32
        %add3A_53 = arith.addi %select_n3A_52, %select_n3A_14 : i32
        "tpu.trace_start"() <{level = 10 : i32, message = "ep_initialize_0"}> : () -> ()
        %rem3A = arith.constant 0 : i32
        %rem3A_54 = arith.constant 2 : i32
        %rem3A_55 = arith.remui %rem3A, %rem3A_54 : i32
        %mul3A_56 = arith.constant 128 : i32
        %mul3A_57 = arith.muli %mul3A_56, %add3A_27 : i32
        %dma_start3A = arith.constant 0 : i32
        %dma_start3A_58 = arith.constant 0 : i32
        %dma_start3A_59 = tpu.memref_slice %run_scoped3A[%rem3A_55, %dma_start3A, %dma_start3A_58] : memref<2x8x128xf32, #tpu.memory_space<vmem>> -> memref<1x8x128xf32, #tpu.memory_space<vmem>>
        %dma_start3A_60 = tpu.memref_squeeze %dma_start3A_59 : memref<1x8x128xf32, #tpu.memory_space<vmem>> -> memref<8x128xf32, #tpu.memory_space<vmem>>
        %dma_start3A_61 = arith.constant 0 : i32
        %dma_start3A_62 = tpu.memref_slice %arg2[%dma_start3A_61, %mul3A_57] : memref<8x256xf32, #tpu.memory_space<hbm>> -> memref<8x128xf32, #tpu.memory_space<hbm>>
        %dma_start3A_63 = tpu.memref_slice %run_scoped3A_17[%rem3A_55] : memref<2x!tpu.dma_semaphore, #tpu.memory_space<semaphore_mem>> -> memref<1x!tpu.dma_semaphore, #tpu.memory_space<semaphore_mem>>
        %dma_start3A_64 = tpu.memref_squeeze %dma_start3A_63 : memref<1x!tpu.dma_semaphore, #tpu.memory_space<semaphore_mem>> -> memref<!tpu.dma_semaphore, #tpu.memory_space<semaphore_mem>>
        %dma_start3A_65 = arith.constant 0 : i32
        %dma_start3A_66 = arith.constant 0 : i32
        %dma_start3A_67 = tpu.memref_slice %run_scoped3A[%rem3A_55, %dma_start3A_65, %dma_start3A_66] : memref<2x8x128xf32, #tpu.memory_space<vmem>> -> memref<1x8x128xf32, #tpu.memory_space<vmem>>
        %dma_start3A_68 = tpu.memref_squeeze %dma_start3A_67 : memref<1x8x128xf32, #tpu.memory_space<vmem>> -> memref<8x128xf32, #tpu.memory_space<vmem>>
        %dma_start3A_69 = arith.constant 0 : i32
        %dma_start3A_70 = tpu.memref_slice %arg2[%dma_start3A_69, %mul3A_57] : memref<8x256xf32, #tpu.memory_space<hbm>> -> memref<8x128xf32, #tpu.memory_space<hbm>>
        tpu.enqueue_dma source(%dma_start3A_70 : memref<8x128xf32, #tpu.memory_space<hbm>>) target(%dma_start3A_68 : memref<8x128xf32, #tpu.memory_space<vmem>>) target_semaphore(%dma_start3A_64 : memref<!tpu.dma_semaphore, #tpu.memory_space<semaphore_mem>>)
        %add3A_71 = arith.constant 0 : i32
        %add3A_72 = arith.constant 1 : i32
        %add3A_73 = arith.addi %add3A_71, %add3A_72 : i32
        %select_n3A_74 = arith.constant true
        %select_n3A_75 = arith.constant 0 : i32
        %select_n3A_76 = arith.select %select_n3A_74, %add3A_73, %select_n3A_75 : i32
        %while3A = arith.constant 0 : i32
        %while3A_77 = arith.constant 0 : i32
        %while3A_78 = arith.constant 0 : i32
        %while3A_79 = arith.constant 0 : i32
        %while3A_80 = arith.constant 0 : i32
        "tpu.trace_stop"() : () -> ()
        %while3A_81 = arith.subi %mul3A_16, %while3A : i32
        %while3A_82 = arith.addi %while3A, %while3A_81 : i32
        %while3A_83 = arith.constant 1 : i32
        %while3A_84 = arith.divsi %while3A_81, %while3A_83 : i32
        %while3A_85 = arith.muli %while3A_84, %while3A_83 : i32
        %while3A_86 = arith.addi %while3A, %while3A_85 : i32
        %while3A_87 = arith.constant 1 : i32
        %while3A_88:5 = scf.for %while3A_142 = %while3A to %while3A_86 step %while3A_87 iter_args(%while3A_143 = %select_n3A_76, %while3A_144 = %while3A_77, %while3A_145 = %while3A_78, %while3A_146 = %while3A_79, %while3A_147 = %while3A_80) -> (i32, i32, i32, i32, i32)  : i32 {
          %mul3A_148 = arith.constant 1 : i32
          %mul3A_149 = arith.muli %mul3A_148, %select_n3A : i32
          %eq3A_150 = arith.constant 0 : i32
          %eq3A_151 = arith.cmpi eq, %while3A_142, %eq3A_150 : i32
          %sub3A_152 = arith.constant 1 : i32
          %sub3A_153 = arith.subi %mul3A_149, %sub3A_152 : i32
          %eq3A_154 = arith.cmpi eq, %while3A_142, %sub3A_153 : i32
          %add3A_155 = arith.addi %while3A_147, %select_n3A_14 : i32
          %sub3A_156 = arith.constant 1 : i32
          %sub3A_157 = arith.subi %while3A_147, %sub3A_156 : i32
          %select_n3A_158 = arith.constant true
          %select_n3A_159 = arith.select %select_n3A_158, %sub3A_157, %while3A_147 : i32
          %eq3A_160 = arith.constant -1 : i32
          %eq3A_161 = arith.cmpi eq, %select_n3A_159, %eq3A_160 : i32
          %sub3A_162 = arith.constant 1 : i32
          %sub3A_163 = arith.subi %select_n3A, %sub3A_162 : i32
          %select_n3A_164 = arith.select %eq3A_161, %sub3A_163, %select_n3A_159 : i32
          %add3A_165 = arith.addi %select_n3A_164, %select_n3A_14 : i32
          %add3A_166 = arith.constant 1 : i32
          %add3A_167 = arith.addi %while3A_147, %add3A_166 : i32
          %select_n3A_168 = arith.constant true
          %select_n3A_169 = arith.select %select_n3A_168, %add3A_167, %while3A_147 : i32
          %eq3A_170 = arith.cmpi eq, %select_n3A_169, %select_n3A : i32
          %select_n3A_171 = arith.constant 0 : i32
          %select_n3A_172 = arith.select %eq3A_170, %select_n3A_171, %select_n3A_169 : i32
          %add3A_173 = arith.addi %select_n3A_172, %select_n3A_14 : i32
          %add3A_174 = arith.constant 1 : i32
          %add3A_175 = arith.addi %select_n3A_172, %add3A_174 : i32
          %select_n3A_176 = arith.constant true
          %select_n3A_177 = arith.select %select_n3A_176, %add3A_175, %select_n3A_172 : i32
          %eq3A_178 = arith.cmpi eq, %select_n3A_177, %select_n3A : i32
          %select_n3A_179 = arith.constant 0 : i32
          %select_n3A_180 = arith.select %eq3A_178, %select_n3A_179, %select_n3A_177 : i32
          %add3A_181 = arith.addi %select_n3A_180, %select_n3A_14 : i32
          %ne3A = arith.cmpi ne, %add3A_155, %add3A_173 : i32
          %or3A = arith.constant false
          %or3A_182 = arith.ori %or3A, %ne3A : i1
          %sub3A_183 = arith.constant 2 : i32
          %sub3A_184 = arith.subi %mul3A_149, %sub3A_183 : i32
          %add3A_185 = arith.constant 1 : i32
          %add3A_186 = arith.addi %sub3A_184, %add3A_185 : i32
          %ge3A = arith.cmpi sge, %while3A_142, %add3A_186 : i32
          %not3A = arith.constant true
          %not3A_187 = arith.xori %ge3A, %not3A : i1
          %and3A = arith.andi %or3A_182, %not3A_187 : i1
          %convert_element_type3A_188 = arith.extui %and3A : i1 to i32
          %cond3A_189 = arith.constant 0 : i32
          %cond3A_190 = arith.cmpi ne, %convert_element_type3A_188, %cond3A_189 : i32
          scf.if %cond3A_190 {
            "tpu.trace_start"() <{level = 10 : i32, message = "ep_copy_in"}> : () -> ()
            %rem3A_291 = arith.constant 2 : i32
            %rem3A_292 = arith.remui %while3A_143, %rem3A_291 : i32
            %mul3A_293 = arith.constant 128 : i32
            %mul3A_294 = arith.muli %mul3A_293, %add3A_173 : i32
            %dma_start3A_295 = arith.constant 0 : i32
            %dma_start3A_296 = arith.constant 0 : i32
            %dma_start3A_297 = tpu.memref_slice %run_scoped3A[%rem3A_292, %dma_start3A_295, %dma_start3A_296] : memref<2x8x128xf32, #tpu.memory_space<vmem>> -> memref<1x8x128xf32, #tpu.memory_space<vmem>>
            %dma_start3A_298 = tpu.memref_squeeze %dma_start3A_297 : memref<1x8x128xf32, #tpu.memory_space<vmem>> -> memref<8x128xf32, #tpu.memory_space<vmem>>
            %dma_start3A_299 = arith.constant 0 : i32
            %dma_start3A_300 = tpu.memref_slice %arg2[%dma_start3A_299, %mul3A_294] : memref<8x256xf32, #tpu.memory_space<hbm>> -> memref<8x128xf32, #tpu.memory_space<hbm>>
            %dma_start3A_301 = tpu.memref_slice %run_scoped3A_17[%rem3A_292] : memref<2x!tpu.dma_semaphore, #tpu.memory_space<semaphore_mem>> -> memref<1x!tpu.dma_semaphore, #tpu.memory_space<semaphore_mem>>
            %dma_start3A_302 = tpu.memref_squeeze %dma_start3A_301 : memref<1x!tpu.dma_semaphore, #tpu.memory_space<semaphore_mem>> -> memref<!tpu.dma_semaphore, #tpu.memory_space<semaphore_mem>>
            %dma_start3A_303 = arith.constant 0 : i32
            %dma_start3A_304 = arith.constant 0 : i32
            %dma_start3A_305 = tpu.memref_slice %run_scoped3A[%rem3A_292, %dma_start3A_303, %dma_start3A_304] : memref<2x8x128xf32, #tpu.memory_space<vmem>> -> memref<1x8x128xf32, #tpu.memory_space<vmem>>
            %dma_start3A_306 = tpu.memref_squeeze %dma_start3A_305 : memref<1x8x128xf32, #tpu.memory_space<vmem>> -> memref<8x128xf32, #tpu.memory_space<vmem>>
            %dma_start3A_307 = arith.constant 0 : i32
            %dma_start3A_308 = tpu.memref_slice %arg2[%dma_start3A_307, %mul3A_294] : memref<8x256xf32, #tpu.memory_space<hbm>> -> memref<8x128xf32, #tpu.memory_space<hbm>>
            tpu.enqueue_dma source(%dma_start3A_308 : memref<8x128xf32, #tpu.memory_space<hbm>>) target(%dma_start3A_306 : memref<8x128xf32, #tpu.memory_space<vmem>>) target_semaphore(%dma_start3A_302 : memref<!tpu.dma_semaphore, #tpu.memory_space<semaphore_mem>>)
            "tpu.trace_stop"() : () -> ()
          } else {
          }
          %and3A_191 = arith.constant true
          %and3A_192 = arith.andi %and3A, %and3A_191 : i1
          %add3A_193 = arith.constant 1 : i32
          %add3A_194 = arith.addi %while3A_143, %add3A_193 : i32
          %select_n3A_195 = arith.select %and3A_192, %add3A_194, %while3A_143 : i32
          %ne3A_196 = arith.cmpi ne, %add3A_155, %add3A_173 : i32
          %or3A_197 = arith.constant false
          %or3A_198 = arith.ori %or3A_197, %ne3A_196 : i1
          %sub3A_199 = arith.constant 2 : i32
          %sub3A_200 = arith.subi %mul3A_149, %sub3A_199 : i32
          %add3A_201 = arith.constant 1 : i32
          %add3A_202 = arith.addi %sub3A_200, %add3A_201 : i32
          %ge3A_203 = arith.cmpi sge, %while3A_142, %add3A_202 : i32
          %not3A_204 = arith.constant true
          %not3A_205 = arith.xori %ge3A_203, %not3A_204 : i1
          %and3A_206 = arith.andi %or3A_198, %not3A_205 : i1
          %ne3A_207 = arith.cmpi ne, %add3A_155, %add3A_165 : i32
          %or3A_208 = arith.constant false
          %or3A_209 = arith.ori %or3A_208, %ne3A_207 : i1
          %or3A_210 = arith.ori %or3A_209, %eq3A_151 : i1
          %convert_element_type3A_211 = arith.extui %or3A_210 : i1 to i32
          %cond3A_212 = arith.constant 0 : i32
          %cond3A_213 = arith.cmpi ne, %convert_element_type3A_211, %cond3A_212 : i32
          scf.if %cond3A_213 {
            "tpu.trace_start"() <{level = 10 : i32, message = "ep_wait_in"}> : () -> ()
            %mul3A_291 = arith.constant 128 : i32
            %mul3A_292 = arith.muli %mul3A_291, %add3A_155 : i32
            %rem3A_293 = arith.constant 2 : i32
            %rem3A_294 = arith.remui %while3A_144, %rem3A_293 : i32
            %dma_wait3A = arith.constant 0 : i32
            %dma_wait3A_295 = arith.constant 0 : i32
            %dma_wait3A_296 = tpu.memref_slice %run_scoped3A[%rem3A_294, %dma_wait3A, %dma_wait3A_295] : memref<2x8x128xf32, #tpu.memory_space<vmem>> -> memref<1x8x128xf32, #tpu.memory_space<vmem>>
            %dma_wait3A_297 = tpu.memref_squeeze %dma_wait3A_296 : memref<1x8x128xf32, #tpu.memory_space<vmem>> -> memref<8x128xf32, #tpu.memory_space<vmem>>
            %dma_wait3A_298 = arith.constant 0 : i32
            %dma_wait3A_299 = tpu.memref_slice %arg2[%dma_wait3A_298, %mul3A_292] : memref<8x256xf32, #tpu.memory_space<hbm>> -> memref<8x128xf32, #tpu.memory_space<hbm>>
            %dma_wait3A_300 = tpu.memref_slice %run_scoped3A_17[%rem3A_294] : memref<2x!tpu.dma_semaphore, #tpu.memory_space<semaphore_mem>> -> memref<1x!tpu.dma_semaphore, #tpu.memory_space<semaphore_mem>>
            %dma_wait3A_301 = tpu.memref_squeeze %dma_wait3A_300 : memref<1x!tpu.dma_semaphore, #tpu.memory_space<semaphore_mem>> -> memref<!tpu.dma_semaphore, #tpu.memory_space<semaphore_mem>>
            %dma_wait3A_302 = arith.constant 0 : i32
            %dma_wait3A_303 = arith.constant 0 : i32
            %dma_wait3A_304 = tpu.memref_slice %run_scoped3A[%rem3A_294, %dma_wait3A_302, %dma_wait3A_303] : memref<2x8x128xf32, #tpu.memory_space<vmem>> -> memref<1x8x128xf32, #tpu.memory_space<vmem>>
            %dma_wait3A_305 = tpu.memref_squeeze %dma_wait3A_304 : memref<1x8x128xf32, #tpu.memory_space<vmem>> -> memref<8x128xf32, #tpu.memory_space<vmem>>
            %dma_wait3A_306 = arith.constant 0 : i32
            %dma_wait3A_307 = tpu.memref_slice %arg2[%dma_wait3A_306, %mul3A_292] : memref<8x256xf32, #tpu.memory_space<hbm>> -> memref<8x128xf32, #tpu.memory_space<hbm>>
            tpu.wait_dma2 semaphore(%dma_wait3A_301 : memref<!tpu.dma_semaphore, #tpu.memory_space<semaphore_mem>>) src(%dma_wait3A_307 : memref<8x128xf32, #tpu.memory_space<hbm>>) dst(%dma_wait3A_305 : memref<8x128xf32, #tpu.memory_space<vmem>>)
            "tpu.trace_stop"() : () -> ()
          } else {
          }
          %ne3A_214 = arith.cmpi ne, %add3A_155, %add3A_165 : i32
          %or3A_215 = arith.constant false
          %or3A_216 = arith.ori %or3A_215, %ne3A_214 : i1
          %or3A_217 = arith.ori %or3A_216, %eq3A_151 : i1
          %convert_element_type3A_218 = arith.extui %or3A_217 : i1 to i32
          %cond3A_219 = arith.constant 0 : i32
          %cond3A_220 = arith.cmpi ne, %convert_element_type3A_218, %cond3A_219 : i32
          scf.if %cond3A_220 {
          } else {
          }
          %rem3A_221 = arith.constant 2 : i32
          %rem3A_222 = arith.remui %while3A_144, %rem3A_221 : i32
          %rem3A_223 = arith.constant 2 : i32
          %rem3A_224 = arith.remui %while3A_145, %rem3A_223 : i32
          "tpu.trace_start"() <{level = 10 : i32, message = "ep_run_kernel"}> : () -> ()
          %scan3A = arith.constant 0xFF800000 : f32
          %scan3A_225 = arith.constant 2.000000e-02 : f32
          %scan3A_226 = arith.constant 0 : i32
          %scan3A_227 = arith.constant 8 : i32
          %scan3A_228 = arith.addi %scan3A_226, %scan3A_227 : i32
          %scan3A_229 = arith.constant 1 : i32
          scf.for %scan3A_291 = %scan3A_226 to %scan3A_228 step %scan3A_229  : i32 {
            %mul3A_292 = arith.constant 16 : i32
            %mul3A_293 = arith.muli %scan3A_291, %mul3A_292 : i32
            %add3A_294 = arith.constant 0 : i32
            %add3A_295 = arith.addi %add3A_294, %mul3A_293 : i32
            %get3A = arith.constant 0 : i32
            %get3A_296 = arith.constant 0 : i32
            %get3A_297 = arith.constant 0 : i32
            %get3A_298 = tpu.memref_slice %run_scoped3A[%rem3A_222, %get3A_296, %get3A_297] : memref<2x8x128xf32, #tpu.memory_space<vmem>> -> memref<1x8x128xf32, #tpu.memory_space<vmem>>
            %get3A_299 = tpu.memref_squeeze %get3A_298 : memref<1x8x128xf32, #tpu.memory_space<vmem>> -> memref<8x128xf32, #tpu.memory_space<vmem>>
            %get3A_300 = arith.index_cast %get3A : i32 to index
            %get3A_301 = arith.index_cast %add3A_295 : i32 to index
            %get3A_302 = tpu.vector_load %get3A_299[%get3A_300, %get3A_301] {strides = array<i32>} : memref<8x128xf32, #tpu.memory_space<vmem>>, vector<1x16xf32>,
            %get3A_303 = vector.shape_cast %get3A_302 : vector<1x16xf32> to vector<16xf32>
            %get3A_304 = arith.constant 1 : i32
            %get3A_305 = arith.constant 0 : i32
            %get3A_306 = arith.constant 0 : i32
            %get3A_307 = tpu.memref_slice %run_scoped3A[%rem3A_222, %get3A_305, %get3A_306] : memref<2x8x128xf32, #tpu.memory_space<vmem>> -> memref<1x8x128xf32, #tpu.memory_space<vmem>>
            %get3A_308 = tpu.memref_squeeze %get3A_307 : memref<1x8x128xf32, #tpu.memory_space<vmem>> -> memref<8x128xf32, #tpu.memory_space<vmem>>
            %get3A_309 = arith.index_cast %get3A_304 : i32 to index
            %get3A_310 = arith.index_cast %add3A_295 : i32 to index
            %get3A_311 = tpu.vector_load %get3A_308[%get3A_309, %get3A_310] {strides = array<i32>} : memref<8x128xf32, #tpu.memory_space<vmem>>, vector<1x16xf32>,
            %get3A_312 = vector.shape_cast %get3A_311 : vector<1x16xf32> to vector<16xf32>
            %get3A_313 = arith.constant 2 : i32
            %get3A_314 = arith.constant 0 : i32
            %get3A_315 = arith.constant 0 : i32
            %get3A_316 = tpu.memref_slice %run_scoped3A[%rem3A_222, %get3A_314, %get3A_315] : memref<2x8x128xf32, #tpu.memory_space<vmem>> -> memref<1x8x128xf32, #tpu.memory_space<vmem>>
            %get3A_317 = tpu.memref_squeeze %get3A_316 : memref<1x8x128xf32, #tpu.memory_space<vmem>> -> memref<8x128xf32, #tpu.memory_space<vmem>>
            %get3A_318 = arith.index_cast %get3A_313 : i32 to index
            %get3A_319 = arith.index_cast %add3A_295 : i32 to index
            %get3A_320 = tpu.vector_load %get3A_317[%get3A_318, %get3A_319] {strides = array<i32>} : memref<8x128xf32, #tpu.memory_space<vmem>>, vector<1x16xf32>,
            %get3A_321 = vector.shape_cast %get3A_320 : vector<1x16xf32> to vector<16xf32>
            %get3A_322 = arith.constant 3 : i32
            %get3A_323 = arith.constant 0 : i32
            %get3A_324 = arith.constant 0 : i32
            %get3A_325 = tpu.memref_slice %run_scoped3A[%rem3A_222, %get3A_323, %get3A_324] : memref<2x8x128xf32, #tpu.memory_space<vmem>> -> memref<1x8x128xf32, #tpu.memory_space<vmem>>
            %get3A_326 = tpu.memref_squeeze %get3A_325 : memref<1x8x128xf32, #tpu.memory_space<vmem>> -> memref<8x128xf32, #tpu.memory_space<vmem>>
            %get3A_327 = arith.index_cast %get3A_322 : i32 to index
            %get3A_328 = arith.index_cast %add3A_295 : i32 to index
            %get3A_329 = tpu.vector_load %get3A_326[%get3A_327, %get3A_328] {strides = array<i32>} : memref<8x128xf32, #tpu.memory_space<vmem>>, vector<1x16xf32>,
            %get3A_330 = vector.shape_cast %get3A_329 : vector<1x16xf32> to vector<16xf32>
            %get3A_331 = arith.constant 4 : i32
            %get3A_332 = arith.constant 0 : i32
            %get3A_333 = arith.constant 0 : i32
            %get3A_334 = tpu.memref_slice %run_scoped3A[%rem3A_222, %get3A_332, %get3A_333] : memref<2x8x128xf32, #tpu.memory_space<vmem>> -> memref<1x8x128xf32, #tpu.memory_space<vmem>>
            %get3A_335 = tpu.memref_squeeze %get3A_334 : memref<1x8x128xf32, #tpu.memory_space<vmem>> -> memref<8x128xf32, #tpu.memory_space<vmem>>
            %get3A_336 = arith.index_cast %get3A_331 : i32 to index
            %get3A_337 = arith.index_cast %add3A_295 : i32 to index
            %get3A_338 = tpu.vector_load %get3A_335[%get3A_336, %get3A_337] {strides = array<i32>} : memref<8x128xf32, #tpu.memory_space<vmem>>, vector<1x16xf32>,
            %get3A_339 = vector.shape_cast %get3A_338 : vector<1x16xf32> to vector<16xf32>
            %get3A_340 = arith.constant 5 : i32
            %get3A_341 = arith.constant 0 : i32
            %get3A_342 = arith.constant 0 : i32
            %get3A_343 = tpu.memref_slice %run_scoped3A[%rem3A_222, %get3A_341, %get3A_342] : memref<2x8x128xf32, #tpu.memory_space<vmem>> -> memref<1x8x128xf32, #tpu.memory_space<vmem>>
            %get3A_344 = tpu.memref_squeeze %get3A_343 : memref<1x8x128xf32, #tpu.memory_space<vmem>> -> memref<8x128xf32, #tpu.memory_space<vmem>>
            %get3A_345 = arith.index_cast %get3A_340 : i32 to index
            %get3A_346 = arith.index_cast %add3A_295 : i32 to index
            %get3A_347 = tpu.vector_load %get3A_344[%get3A_345, %get3A_346] {strides = array<i32>} : memref<8x128xf32, #tpu.memory_space<vmem>>, vector<1x16xf32>,
            %get3A_348 = vector.shape_cast %get3A_347 : vector<1x16xf32> to vector<16xf32>
            %get3A_349 = arith.constant 6 : i32
            %get3A_350 = arith.constant 0 : i32
            %get3A_351 = arith.constant 0 : i32
            %get3A_352 = tpu.memref_slice %run_scoped3A[%rem3A_222, %get3A_350, %get3A_351] : memref<2x8x128xf32, #tpu.memory_space<vmem>> -> memref<1x8x128xf32, #tpu.memory_space<vmem>>
            %get3A_353 = tpu.memref_squeeze %get3A_352 : memref<1x8x128xf32, #tpu.memory_space<vmem>> -> memref<8x128xf32, #tpu.memory_space<vmem>>
            %get3A_354 = arith.index_cast %get3A_349 : i32 to index
            %get3A_355 = arith.index_cast %add3A_295 : i32 to index
            %get3A_356 = tpu.vector_load %get3A_353[%get3A_354, %get3A_355] {strides = array<i32>} : memref<8x128xf32, #tpu.memory_space<vmem>>, vector<1x16xf32>,
            %get3A_357 = vector.shape_cast %get3A_356 : vector<1x16xf32> to vector<16xf32>
            %get3A_358 = arith.constant 7 : i32
            %get3A_359 = arith.constant 0 : i32
            %get3A_360 = arith.constant 0 : i32
            %get3A_361 = tpu.memref_slice %run_scoped3A[%rem3A_222, %get3A_359, %get3A_360] : memref<2x8x128xf32, #tpu.memory_space<vmem>> -> memref<1x8x128xf32, #tpu.memory_space<vmem>>
            %get3A_362 = tpu.memref_squeeze %get3A_361 : memref<1x8x128xf32, #tpu.memory_space<vmem>> -> memref<8x128xf32, #tpu.memory_space<vmem>>
            %get3A_363 = arith.index_cast %get3A_358 : i32 to index
            %get3A_364 = arith.index_cast %add3A_295 : i32 to index
            %get3A_365 = tpu.vector_load %get3A_362[%get3A_363, %get3A_364] {strides = array<i32>} : memref<8x128xf32, #tpu.memory_space<vmem>>, vector<1x16xf32>,
            %get3A_366 = vector.shape_cast %get3A_365 : vector<1x16xf32> to vector<16xf32>
            %max3A = arith.maximumf %get3A_303, %get3A_312 : vector<16xf32>
            %max3A_367 = arith.maximumf %max3A, %get3A_321 : vector<16xf32>
            %max3A_368 = arith.maximumf %max3A_367, %get3A_330 : vector<16xf32>
            %max3A_369 = arith.maximumf %max3A_368, %get3A_339 : vector<16xf32>
            %max3A_370 = arith.maximumf %max3A_369, %get3A_348 : vector<16xf32>
            %max3A_371 = arith.maximumf %max3A_370, %get3A_357 : vector<16xf32>
            %max3A_372 = arith.maximumf %max3A_371, %get3A_366 : vector<16xf32>
            %ge3A_373 = arith.cmpf oge, %get3A_303, %max3A_372 : vector<16xf32>
            %ge3A_374 = arith.cmpf oge, %get3A_312, %max3A_372 : vector<16xf32>
            %ge3A_375 = arith.cmpf oge, %get3A_321, %max3A_372 : vector<16xf32>
            %ge3A_376 = arith.cmpf oge, %get3A_330, %max3A_372 : vector<16xf32>
            %ge3A_377 = arith.cmpf oge, %get3A_339, %max3A_372 : vector<16xf32>
            %ge3A_378 = arith.cmpf oge, %get3A_348, %max3A_372 : vector<16xf32>
            %ge3A_379 = arith.cmpf oge, %get3A_357, %max3A_372 : vector<16xf32>
            %ge3A_380 = arith.cmpf oge, %get3A_366, %max3A_372 : vector<16xf32>
            %broadcast_in_dim3A = arith.constant 0.000000e+00 : f32
            %broadcast_in_dim3A_381 = vector.broadcast %broadcast_in_dim3A : f32 to vector<16xf32>
            %add3A_382 = vector.broadcast %scan3A : f32 to vector<16xf32>
            %add3A_383 = arith.addf %broadcast_in_dim3A_381, %add3A_382 : vector<16xf32>
            %sub3A_384 = arith.subf %max3A_372, %get3A_303 : vector<16xf32>
            %abs3A = math.absf %get3A_303 : vector<16xf32>
            %max3A_385 = arith.maximumf %abs3A, %max3A_372 : vector<16xf32>
            %div3A = arith.divf %sub3A_384, %max3A_385 : vector<16xf32>
            %gt3A_386 = vector.broadcast %scan3A_225 : f32 to vector<16xf32>
            %gt3A_387 = arith.cmpf ogt, %div3A, %gt3A_386 : vector<16xf32>
            %select_n3A_388 = arith.select %gt3A_387, %add3A_383, %get3A_303 : vector<16xi1>, vector<16xf32>
            %sub3A_389 = arith.subf %select_n3A_388, %max3A_372 : vector<16xf32>
            %exp3A = math.exp %sub3A_389 : vector<16xf32>
            %sub3A_390 = arith.subf %max3A_372, %get3A_312 : vector<16xf32>
            %abs3A_391 = math.absf %get3A_312 : vector<16xf32>
            %max3A_392 = arith.maximumf %abs3A_391, %max3A_372 : vector<16xf32>
            %div3A_393 = arith.divf %sub3A_390, %max3A_392 : vector<16xf32>
            %gt3A_394 = vector.broadcast %scan3A_225 : f32 to vector<16xf32>
            %gt3A_395 = arith.cmpf ogt, %div3A_393, %gt3A_394 : vector<16xf32>
            %select_n3A_396 = arith.select %gt3A_395, %add3A_383, %get3A_312 : vector<16xi1>, vector<16xf32>
            %sub3A_397 = arith.subf %select_n3A_396, %max3A_372 : vector<16xf32>
            %exp3A_398 = math.exp %sub3A_397 : vector<16xf32>
            %sub3A_399 = arith.subf %max3A_372, %get3A_321 : vector<16xf32>
            %abs3A_400 = math.absf %get3A_321 : vector<16xf32>
            %max3A_401 = arith.maximumf %abs3A_400, %max3A_372 : vector<16xf32>
            %div3A_402 = arith.divf %sub3A_399, %max3A_401 : vector<16xf32>
            %gt3A_403 = vector.broadcast %scan3A_225 : f32 to vector<16xf32>
            %gt3A_404 = arith.cmpf ogt, %div3A_402, %gt3A_403 : vector<16xf32>
            %select_n3A_405 = arith.select %gt3A_404, %add3A_383, %get3A_321 : vector<16xi1>, vector<16xf32>
            %sub3A_406 = arith.subf %select_n3A_405, %max3A_372 : vector<16xf32>
            %exp3A_407 = math.exp %sub3A_406 : vector<16xf32>
            %sub3A_408 = arith.subf %max3A_372, %get3A_330 : vector<16xf32>
            %abs3A_409 = math.absf %get3A_330 : vector<16xf32>
            %max3A_410 = arith.maximumf %abs3A_409, %max3A_372 : vector<16xf32>
            %div3A_411 = arith.divf %sub3A_408, %max3A_410 : vector<16xf32>
            %gt3A_412 = vector.broadcast %scan3A_225 : f32 to vector<16xf32>
            %gt3A_413 = arith.cmpf ogt, %div3A_411, %gt3A_412 : vector<16xf32>
            %select_n3A_414 = arith.select %gt3A_413, %add3A_383, %get3A_330 : vector<16xi1>, vector<16xf32>
            %sub3A_415 = arith.subf %select_n3A_414, %max3A_372 : vector<16xf32>
            %exp3A_416 = math.exp %sub3A_415 : vector<16xf32>
            %sub3A_417 = arith.subf %max3A_372, %get3A_339 : vector<16xf32>
            %abs3A_418 = math.absf %get3A_339 : vector<16xf32>
            %max3A_419 = arith.maximumf %abs3A_418, %max3A_372 : vector<16xf32>
            %div3A_420 = arith.divf %sub3A_417, %max3A_419 : vector<16xf32>
            %gt3A_421 = vector.broadcast %scan3A_225 : f32 to vector<16xf32>
            %gt3A_422 = arith.cmpf ogt, %div3A_420, %gt3A_421 : vector<16xf32>
            %select_n3A_423 = arith.select %gt3A_422, %add3A_383, %get3A_339 : vector<16xi1>, vector<16xf32>
            %sub3A_424 = arith.subf %select_n3A_423, %max3A_372 : vector<16xf32>
            %exp3A_425 = math.exp %sub3A_424 : vector<16xf32>
            %sub3A_426 = arith.subf %max3A_372, %get3A_348 : vector<16xf32>
            %abs3A_427 = math.absf %get3A_348 : vector<16xf32>
            %max3A_428 = arith.maximumf %abs3A_427, %max3A_372 : vector<16xf32>
            %div3A_429 = arith.divf %sub3A_426, %max3A_428 : vector<16xf32>
            %gt3A_430 = vector.broadcast %scan3A_225 : f32 to vector<16xf32>
            %gt3A_431 = arith.cmpf ogt, %div3A_429, %gt3A_430 : vector<16xf32>
            %select_n3A_432 = arith.select %gt3A_431, %add3A_383, %get3A_348 : vector<16xi1>, vector<16xf32>
            %sub3A_433 = arith.subf %select_n3A_432, %max3A_372 : vector<16xf32>
            %exp3A_434 = math.exp %sub3A_433 : vector<16xf32>
            %sub3A_435 = arith.subf %max3A_372, %get3A_357 : vector<16xf32>
            %abs3A_436 = math.absf %get3A_357 : vector<16xf32>
            %max3A_437 = arith.maximumf %abs3A_436, %max3A_372 : vector<16xf32>
            %div3A_438 = arith.divf %sub3A_435, %max3A_437 : vector<16xf32>
            %gt3A_439 = vector.broadcast %scan3A_225 : f32 to vector<16xf32>
            %gt3A_440 = arith.cmpf ogt, %div3A_438, %gt3A_439 : vector<16xf32>
            %select_n3A_441 = arith.select %gt3A_440, %add3A_383, %get3A_357 : vector<16xi1>, vector<16xf32>
            %sub3A_442 = arith.subf %select_n3A_441, %max3A_372 : vector<16xf32>
            %exp3A_443 = math.exp %sub3A_442 : vector<16xf32>
            %sub3A_444 = arith.subf %max3A_372, %get3A_366 : vector<16xf32>
            %abs3A_445 = math.absf %get3A_366 : vector<16xf32>
            %max3A_446 = arith.maximumf %abs3A_445, %max3A_372 : vector<16xf32>
            %div3A_447 = arith.divf %sub3A_444, %max3A_446 : vector<16xf32>
            %gt3A_448 = vector.broadcast %scan3A_225 : f32 to vector<16xf32>
            %gt3A_449 = arith.cmpf ogt, %div3A_447, %gt3A_448 : vector<16xf32>
            %select_n3A_450 = arith.select %gt3A_449, %add3A_383, %get3A_366 : vector<16xi1>, vector<16xf32>
            %sub3A_451 = arith.subf %select_n3A_450, %max3A_372 : vector<16xf32>
            %exp3A_452 = math.exp %sub3A_451 : vector<16xf32>
            %add3A_453 = arith.addf %exp3A, %exp3A_398 : vector<16xf32>
            %add3A_454 = arith.addf %add3A_453, %exp3A_407 : vector<16xf32>
            %add3A_455 = arith.addf %add3A_454, %exp3A_416 : vector<16xf32>
            %add3A_456 = arith.addf %add3A_455, %exp3A_425 : vector<16xf32>
            %add3A_457 = arith.addf %add3A_456, %exp3A_434 : vector<16xf32>
            %add3A_458 = arith.addf %add3A_457, %exp3A_443 : vector<16xf32>
            %add3A_459 = arith.addf %add3A_458, %exp3A_452 : vector<16xf32>
            %select_n3A_460 = arith.select %ge3A_373, %exp3A, %broadcast_in_dim3A_381 : vector<16xi1>, vector<16xf32>
            %add3A_461 = arith.addf %broadcast_in_dim3A_381, %select_n3A_460 : vector<16xf32>
            %select_n3A_462 = arith.select %ge3A_374, %exp3A_398, %broadcast_in_dim3A_381 : vector<16xi1>, vector<16xf32>
            %add3A_463 = arith.addf %add3A_461, %select_n3A_462 : vector<16xf32>
            %select_n3A_464 = arith.select %ge3A_375, %exp3A_407, %broadcast_in_dim3A_381 : vector<16xi1>, vector<16xf32>
            %add3A_465 = arith.addf %add3A_463, %select_n3A_464 : vector<16xf32>
            %select_n3A_466 = arith.select %ge3A_376, %exp3A_416, %broadcast_in_dim3A_381 : vector<16xi1>, vector<16xf32>
            %add3A_467 = arith.addf %add3A_465, %select_n3A_466 : vector<16xf32>
            %select_n3A_468 = arith.select %ge3A_377, %exp3A_425, %broadcast_in_dim3A_381 : vector<16xi1>, vector<16xf32>
            %add3A_469 = arith.addf %add3A_467, %select_n3A_468 : vector<16xf32>
            %select_n3A_470 = arith.select %ge3A_378, %exp3A_434, %broadcast_in_dim3A_381 : vector<16xi1>, vector<16xf32>
            %add3A_471 = arith.addf %add3A_469, %select_n3A_470 : vector<16xf32>
            %select_n3A_472 = arith.select %ge3A_379, %exp3A_443, %broadcast_in_dim3A_381 : vector<16xi1>, vector<16xf32>
            %add3A_473 = arith.addf %add3A_471, %select_n3A_472 : vector<16xf32>
            %select_n3A_474 = arith.select %ge3A_380, %exp3A_452, %broadcast_in_dim3A_381 : vector<16xi1>, vector<16xf32>
            %add3A_475 = arith.addf %add3A_473, %select_n3A_474 : vector<16xf32>
            %div3A_476 = arith.divf %add3A_475, %add3A_459 : vector<16xf32>
            %select_n3A_477 = arith.select %ge3A_373, %add3A_383, %get3A_303 : vector<16xi1>, vector<16xf32>
            %select_n3A_478 = arith.select %ge3A_374, %add3A_383, %get3A_312 : vector<16xi1>, vector<16xf32>
            %select_n3A_479 = arith.select %ge3A_375, %add3A_383, %get3A_321 : vector<16xi1>, vector<16xf32>
            %select_n3A_480 = arith.select %ge3A_376, %add3A_383, %get3A_330 : vector<16xi1>, vector<16xf32>
            %select_n3A_481 = arith.select %ge3A_377, %add3A_383, %get3A_339 : vector<16xi1>, vector<16xf32>
            %select_n3A_482 = arith.select %ge3A_378, %add3A_383, %get3A_348 : vector<16xi1>, vector<16xf32>
            %select_n3A_483 = arith.select %ge3A_379, %add3A_383, %get3A_357 : vector<16xi1>, vector<16xf32>
            %select_n3A_484 = arith.select %ge3A_380, %add3A_383, %get3A_366 : vector<16xi1>, vector<16xf32>
            %max3A_485 = arith.maximumf %select_n3A_477, %select_n3A_478 : vector<16xf32>
            %max3A_486 = arith.maximumf %max3A_485, %select_n3A_479 : vector<16xf32>
            %max3A_487 = arith.maximumf %max3A_486, %select_n3A_480 : vector<16xf32>
            %max3A_488 = arith.maximumf %max3A_487, %select_n3A_481 : vector<16xf32>
            %max3A_489 = arith.maximumf %max3A_488, %select_n3A_482 : vector<16xf32>
            %max3A_490 = arith.maximumf %max3A_489, %select_n3A_483 : vector<16xf32>
            %max3A_491 = arith.maximumf %max3A_490, %select_n3A_484 : vector<16xf32>
            %ge3A_492 = arith.cmpf oge, %select_n3A_477, %max3A_491 : vector<16xf32>
            %ge3A_493 = arith.cmpf oge, %select_n3A_478, %max3A_491 : vector<16xf32>
            %ge3A_494 = arith.cmpf oge, %select_n3A_479, %max3A_491 : vector<16xf32>
            %ge3A_495 = arith.cmpf oge, %select_n3A_480, %max3A_491 : vector<16xf32>
            %ge3A_496 = arith.cmpf oge, %select_n3A_481, %max3A_491 : vector<16xf32>
            %ge3A_497 = arith.cmpf oge, %select_n3A_482, %max3A_491 : vector<16xf32>
            %ge3A_498 = arith.cmpf oge, %select_n3A_483, %max3A_491 : vector<16xf32>
            %ge3A_499 = arith.cmpf oge, %select_n3A_484, %max3A_491 : vector<16xf32>
            %sub3A_500 = arith.subf %max3A_491, %get3A_303 : vector<16xf32>
            %abs3A_501 = math.absf %get3A_303 : vector<16xf32>
            %max3A_502 = arith.maximumf %abs3A_501, %max3A_491 : vector<16xf32>
            %div3A_503 = arith.divf %sub3A_500, %max3A_502 : vector<16xf32>
            %gt3A_504 = vector.broadcast %scan3A_225 : f32 to vector<16xf32>
            %gt3A_505 = arith.cmpf ogt, %div3A_503, %gt3A_504 : vector<16xf32>
            %select_n3A_506 = arith.select %gt3A_505, %add3A_383, %select_n3A_477 : vector<16xi1>, vector<16xf32>
            %sub3A_507 = arith.subf %select_n3A_506, %max3A_491 : vector<16xf32>
            %exp3A_508 = math.exp %sub3A_507 : vector<16xf32>
            %sub3A_509 = arith.subf %max3A_491, %get3A_312 : vector<16xf32>
            %abs3A_510 = math.absf %get3A_312 : vector<16xf32>
            %max3A_511 = arith.maximumf %abs3A_510, %max3A_491 : vector<16xf32>
            %div3A_512 = arith.divf %sub3A_509, %max3A_511 : vector<16xf32>
            %gt3A_513 = vector.broadcast %scan3A_225 : f32 to vector<16xf32>
            %gt3A_514 = arith.cmpf ogt, %div3A_512, %gt3A_513 : vector<16xf32>
            %select_n3A_515 = arith.select %gt3A_514, %add3A_383, %select_n3A_478 : vector<16xi1>, vector<16xf32>
            %sub3A_516 = arith.subf %select_n3A_515, %max3A_491 : vector<16xf32>
            %exp3A_517 = math.exp %sub3A_516 : vector<16xf32>
            %sub3A_518 = arith.subf %max3A_491, %get3A_321 : vector<16xf32>
            %abs3A_519 = math.absf %get3A_321 : vector<16xf32>
            %max3A_520 = arith.maximumf %abs3A_519, %max3A_491 : vector<16xf32>
            %div3A_521 = arith.divf %sub3A_518, %max3A_520 : vector<16xf32>
            %gt3A_522 = vector.broadcast %scan3A_225 : f32 to vector<16xf32>
            %gt3A_523 = arith.cmpf ogt, %div3A_521, %gt3A_522 : vector<16xf32>
            %select_n3A_524 = arith.select %gt3A_523, %add3A_383, %select_n3A_479 : vector<16xi1>, vector<16xf32>
            %sub3A_525 = arith.subf %select_n3A_524, %max3A_491 : vector<16xf32>
            %exp3A_526 = math.exp %sub3A_525 : vector<16xf32>
            %sub3A_527 = arith.subf %max3A_491, %get3A_330 : vector<16xf32>
            %abs3A_528 = math.absf %get3A_330 : vector<16xf32>
            %max3A_529 = arith.maximumf %abs3A_528, %max3A_491 : vector<16xf32>
            %div3A_530 = arith.divf %sub3A_527, %max3A_529 : vector<16xf32>
            %gt3A_531 = vector.broadcast %scan3A_225 : f32 to vector<16xf32>
            %gt3A_532 = arith.cmpf ogt, %div3A_530, %gt3A_531 : vector<16xf32>
            %select_n3A_533 = arith.select %gt3A_532, %add3A_383, %select_n3A_480 : vector<16xi1>, vector<16xf32>
            %sub3A_534 = arith.subf %select_n3A_533, %max3A_491 : vector<16xf32>
            %exp3A_535 = math.exp %sub3A_534 : vector<16xf32>
            %sub3A_536 = arith.subf %max3A_491, %get3A_339 : vector<16xf32>
            %abs3A_537 = math.absf %get3A_339 : vector<16xf32>
            %max3A_538 = arith.maximumf %abs3A_537, %max3A_491 : vector<16xf32>
            %div3A_539 = arith.divf %sub3A_536, %max3A_538 : vector<16xf32>
            %gt3A_540 = vector.broadcast %scan3A_225 : f32 to vector<16xf32>
            %gt3A_541 = arith.cmpf ogt, %div3A_539, %gt3A_540 : vector<16xf32>
            %select_n3A_542 = arith.select %gt3A_541, %add3A_383, %select_n3A_481 : vector<16xi1>, vector<16xf32>
            %sub3A_543 = arith.subf %select_n3A_542, %max3A_491 : vector<16xf32>
            %exp3A_544 = math.exp %sub3A_543 : vector<16xf32>
            %sub3A_545 = arith.subf %max3A_491, %get3A_348 : vector<16xf32>
            %abs3A_546 = math.absf %get3A_348 : vector<16xf32>
            %max3A_547 = arith.maximumf %abs3A_546, %max3A_491 : vector<16xf32>
            %div3A_548 = arith.divf %sub3A_545, %max3A_547 : vector<16xf32>
            %gt3A_549 = vector.broadcast %scan3A_225 : f32 to vector<16xf32>
            %gt3A_550 = arith.cmpf ogt, %div3A_548, %gt3A_549 : vector<16xf32>
            %select_n3A_551 = arith.select %gt3A_550, %add3A_383, %select_n3A_482 : vector<16xi1>, vector<16xf32>
            %sub3A_552 = arith.subf %select_n3A_551, %max3A_491 : vector<16xf32>
            %exp3A_553 = math.exp %sub3A_552 : vector<16xf32>
            %sub3A_554 = arith.subf %max3A_491, %get3A_357 : vector<16xf32>
            %abs3A_555 = math.absf %get3A_357 : vector<16xf32>
            %max3A_556 = arith.maximumf %abs3A_555, %max3A_491 : vector<16xf32>
            %div3A_557 = arith.divf %sub3A_554, %max3A_556 : vector<16xf32>
            %gt3A_558 = vector.broadcast %scan3A_225 : f32 to vector<16xf32>
            %gt3A_559 = arith.cmpf ogt, %div3A_557, %gt3A_558 : vector<16xf32>
            %select_n3A_560 = arith.select %gt3A_559, %add3A_383, %select_n3A_483 : vector<16xi1>, vector<16xf32>
            %sub3A_561 = arith.subf %select_n3A_560, %max3A_491 : vector<16xf32>
            %exp3A_562 = math.exp %sub3A_561 : vector<16xf32>
            %sub3A_563 = arith.subf %max3A_491, %get3A_366 : vector<16xf32>
            %abs3A_564 = math.absf %get3A_366 : vector<16xf32>
            %max3A_565 = arith.maximumf %abs3A_564, %max3A_491 : vector<16xf32>
            %div3A_566 = arith.divf %sub3A_563, %max3A_565 : vector<16xf32>
            %gt3A_567 = vector.broadcast %scan3A_225 : f32 to vector<16xf32>
            %gt3A_568 = arith.cmpf ogt, %div3A_566, %gt3A_567 : vector<16xf32>
            %select_n3A_569 = arith.select %gt3A_568, %add3A_383, %select_n3A_484 : vector<16xi1>, vector<16xf32>
            %sub3A_570 = arith.subf %select_n3A_569, %max3A_491 : vector<16xf32>
            %exp3A_571 = math.exp %sub3A_570 : vector<16xf32>
            %add3A_572 = arith.addf %exp3A_508, %exp3A_517 : vector<16xf32>
            %add3A_573 = arith.addf %add3A_572, %exp3A_526 : vector<16xf32>
            %add3A_574 = arith.addf %add3A_573, %exp3A_535 : vector<16xf32>
            %add3A_575 = arith.addf %add3A_574, %exp3A_544 : vector<16xf32>
            %add3A_576 = arith.addf %add3A_575, %exp3A_553 : vector<16xf32>
            %add3A_577 = arith.addf %add3A_576, %exp3A_562 : vector<16xf32>
            %add3A_578 = arith.addf %add3A_577, %exp3A_571 : vector<16xf32>
            %select_n3A_579 = arith.select %ge3A_492, %exp3A_508, %broadcast_in_dim3A_381 : vector<16xi1>, vector<16xf32>
            %add3A_580 = arith.addf %broadcast_in_dim3A_381, %select_n3A_579 : vector<16xf32>
            %select_n3A_581 = arith.select %ge3A_493, %exp3A_517, %broadcast_in_dim3A_381 : vector<16xi1>, vector<16xf32>
            %add3A_582 = arith.addf %add3A_580, %select_n3A_581 : vector<16xf32>
            %select_n3A_583 = arith.select %ge3A_494, %exp3A_526, %broadcast_in_dim3A_381 : vector<16xi1>, vector<16xf32>
            %add3A_584 = arith.addf %add3A_582, %select_n3A_583 : vector<16xf32>
            %select_n3A_585 = arith.select %ge3A_495, %exp3A_535, %broadcast_in_dim3A_381 : vector<16xi1>, vector<16xf32>
            %add3A_586 = arith.addf %add3A_584, %select_n3A_585 : vector<16xf32>
            %select_n3A_587 = arith.select %ge3A_496, %exp3A_544, %broadcast_in_dim3A_381 : vector<16xi1>, vector<16xf32>
            %add3A_588 = arith.addf %add3A_586, %select_n3A_587 : vector<16xf32>
            %select_n3A_589 = arith.select %ge3A_497, %exp3A_553, %broadcast_in_dim3A_381 : vector<16xi1>, vector<16xf32>
            %add3A_590 = arith.addf %add3A_588, %select_n3A_589 : vector<16xf32>
            %select_n3A_591 = arith.select %ge3A_498, %exp3A_562, %broadcast_in_dim3A_381 : vector<16xi1>, vector<16xf32>
            %add3A_592 = arith.addf %add3A_590, %select_n3A_591 : vector<16xf32>
            %select_n3A_593 = arith.select %ge3A_499, %exp3A_571, %broadcast_in_dim3A_381 : vector<16xi1>, vector<16xf32>
            %add3A_594 = arith.addf %add3A_592, %select_n3A_593 : vector<16xf32>
            %div3A_595 = arith.divf %add3A_594, %add3A_578 : vector<16xf32>
            %select_n3A_596 = arith.select %ge3A_373, %div3A_476, %broadcast_in_dim3A_381 : vector<16xi1>, vector<16xf32>
            %select_n3A_597 = arith.select %ge3A_492, %div3A_595, %broadcast_in_dim3A_381 : vector<16xi1>, vector<16xf32>
            %add3A_598 = arith.addf %select_n3A_596, %select_n3A_597 : vector<16xf32>
            %swap3A = arith.constant 0 : i32
            %swap3A_599 = arith.constant 0 : i32
            %swap3A_600 = arith.constant 0 : i32
            %swap3A_601 = tpu.memref_slice %run_scoped3A_18[%rem3A_224, %swap3A_599, %swap3A_600] : memref<2x8x128xf32, #tpu.memory_space<vmem>> -> memref<1x8x128xf32, #tpu.memory_space<vmem>>
            %swap3A_602 = tpu.memref_squeeze %swap3A_601 : memref<1x8x128xf32, #tpu.memory_space<vmem>> -> memref<8x128xf32, #tpu.memory_space<vmem>>
            %swap3A_603 = arith.index_cast %swap3A : i32 to index
            %swap3A_604 = arith.index_cast %add3A_295 : i32 to index
            %swap3A_605 = tpu.vector_load %swap3A_602[%swap3A_603, %swap3A_604] {strides = array<i32>} : memref<8x128xf32, #tpu.memory_space<vmem>>, vector<1x16xf32>,
            %swap3A_606 = vector.shape_cast %swap3A_605 : vector<1x16xf32> to vector<16xf32>
            %swap3A_607 = vector.shape_cast %add3A_598 : vector<16xf32> to vector<1x16xf32>
            tpu.vector_store %swap3A_602[%swap3A_603, %swap3A_604], %swap3A_607 {strides = array<i32>} : memref<8x128xf32, #tpu.memory_space<vmem>>, vector<1x16xf32>,
            %select_n3A_608 = arith.select %ge3A_374, %div3A_476, %broadcast_in_dim3A_381 : vector<16xi1>, vector<16xf32>
            %select_n3A_609 = arith.select %ge3A_493, %div3A_595, %broadcast_in_dim3A_381 : vector<16xi1>, vector<16xf32>
            %add3A_610 = arith.addf %select_n3A_608, %select_n3A_609 : vector<16xf32>
            %swap3A_611 = arith.constant 1 : i32
            %swap3A_612 = arith.constant 0 : i32
            %swap3A_613 = arith.constant 0 : i32
            %swap3A_614 = tpu.memref_slice %run_scoped3A_18[%rem3A_224, %swap3A_612, %swap3A_613] : memref<2x8x128xf32, #tpu.memory_space<vmem>> -> memref<1x8x128xf32, #tpu.memory_space<vmem>>
            %swap3A_615 = tpu.memref_squeeze %swap3A_614 : memref<1x8x128xf32, #tpu.memory_space<vmem>> -> memref<8x128xf32, #tpu.memory_space<vmem>>
            %swap3A_616 = arith.index_cast %swap3A_611 : i32 to index
            %swap3A_617 = arith.index_cast %add3A_295 : i32 to index
            %swap3A_618 = tpu.vector_load %swap3A_615[%swap3A_616, %swap3A_617] {strides = array<i32>} : memref<8x128xf32, #tpu.memory_space<vmem>>, vector<1x16xf32>,
            %swap3A_619 = vector.shape_cast %swap3A_618 : vector<1x16xf32> to vector<16xf32>
            %swap3A_620 = vector.shape_cast %add3A_610 : vector<16xf32> to vector<1x16xf32>
            tpu.vector_store %swap3A_615[%swap3A_616, %swap3A_617], %swap3A_620 {strides = array<i32>} : memref<8x128xf32, #tpu.memory_space<vmem>>, vector<1x16xf32>,
            %select_n3A_621 = arith.select %ge3A_375, %div3A_476, %broadcast_in_dim3A_381 : vector<16xi1>, vector<16xf32>
            %select_n3A_622 = arith.select %ge3A_494, %div3A_595, %broadcast_in_dim3A_381 : vector<16xi1>, vector<16xf32>
            %add3A_623 = arith.addf %select_n3A_621, %select_n3A_622 : vector<16xf32>
            %swap3A_624 = arith.constant 2 : i32
            %swap3A_625 = arith.constant 0 : i32
            %swap3A_626 = arith.constant 0 : i32
            %swap3A_627 = tpu.memref_slice %run_scoped3A_18[%rem3A_224, %swap3A_625, %swap3A_626] : memref<2x8x128xf32, #tpu.memory_space<vmem>> -> memref<1x8x128xf32, #tpu.memory_space<vmem>>
            %swap3A_628 = tpu.memref_squeeze %swap3A_627 : memref<1x8x128xf32, #tpu.memory_space<vmem>> -> memref<8x128xf32, #tpu.memory_space<vmem>>
            %swap3A_629 = arith.index_cast %swap3A_624 : i32 to index
            %swap3A_630 = arith.index_cast %add3A_295 : i32 to index
            %swap3A_631 = tpu.vector_load %swap3A_628[%swap3A_629, %swap3A_630] {strides = array<i32>} : memref<8x128xf32, #tpu.memory_space<vmem>>, vector<1x16xf32>,
            %swap3A_632 = vector.shape_cast %swap3A_631 : vector<1x16xf32> to vector<16xf32>
            %swap3A_633 = vector.shape_cast %add3A_623 : vector<16xf32> to vector<1x16xf32>
            tpu.vector_store %swap3A_628[%swap3A_629, %swap3A_630], %swap3A_633 {strides = array<i32>} : memref<8x128xf32, #tpu.memory_space<vmem>>, vector<1x16xf32>,
            %select_n3A_634 = arith.select %ge3A_376, %div3A_476, %broadcast_in_dim3A_381 : vector<16xi1>, vector<16xf32>
            %select_n3A_635 = arith.select %ge3A_495, %div3A_595, %broadcast_in_dim3A_381 : vector<16xi1>, vector<16xf32>
            %add3A_636 = arith.addf %select_n3A_634, %select_n3A_635 : vector<16xf32>
            %swap3A_637 = arith.constant 3 : i32
            %swap3A_638 = arith.constant 0 : i32
            %swap3A_639 = arith.constant 0 : i32
            %swap3A_640 = tpu.memref_slice %run_scoped3A_18[%rem3A_224, %swap3A_638, %swap3A_639] : memref<2x8x128xf32, #tpu.memory_space<vmem>> -> memref<1x8x128xf32, #tpu.memory_space<vmem>>
            %swap3A_641 = tpu.memref_squeeze %swap3A_640 : memref<1x8x128xf32, #tpu.memory_space<vmem>> -> memref<8x128xf32, #tpu.memory_space<vmem>>
            %swap3A_642 = arith.index_cast %swap3A_637 : i32 to index
            %swap3A_643 = arith.index_cast %add3A_295 : i32 to index
            %swap3A_644 = tpu.vector_load %swap3A_641[%swap3A_642, %swap3A_643] {strides = array<i32>} : memref<8x128xf32, #tpu.memory_space<vmem>>, vector<1x16xf32>,
            %swap3A_645 = vector.shape_cast %swap3A_644 : vector<1x16xf32> to vector<16xf32>
            %swap3A_646 = vector.shape_cast %add3A_636 : vector<16xf32> to vector<1x16xf32>
            tpu.vector_store %swap3A_641[%swap3A_642, %swap3A_643], %swap3A_646 {strides = array<i32>} : memref<8x128xf32, #tpu.memory_space<vmem>>, vector<1x16xf32>,
            %select_n3A_647 = arith.select %ge3A_377, %div3A_476, %broadcast_in_dim3A_381 : vector<16xi1>, vector<16xf32>
            %select_n3A_648 = arith.select %ge3A_496, %div3A_595, %broadcast_in_dim3A_381 : vector<16xi1>, vector<16xf32>
            %add3A_649 = arith.addf %select_n3A_647, %select_n3A_648 : vector<16xf32>
            %swap3A_650 = arith.constant 4 : i32
            %swap3A_651 = arith.constant 0 : i32
            %swap3A_652 = arith.constant 0 : i32
            %swap3A_653 = tpu.memref_slice %run_scoped3A_18[%rem3A_224, %swap3A_651, %swap3A_652] : memref<2x8x128xf32, #tpu.memory_space<vmem>> -> memref<1x8x128xf32, #tpu.memory_space<vmem>>
            %swap3A_654 = tpu.memref_squeeze %swap3A_653 : memref<1x8x128xf32, #tpu.memory_space<vmem>> -> memref<8x128xf32, #tpu.memory_space<vmem>>
            %swap3A_655 = arith.index_cast %swap3A_650 : i32 to index
            %swap3A_656 = arith.index_cast %add3A_295 : i32 to index
            %swap3A_657 = tpu.vector_load %swap3A_654[%swap3A_655, %swap3A_656] {strides = array<i32>} : memref<8x128xf32, #tpu.memory_space<vmem>>, vector<1x16xf32>,
            %swap3A_658 = vector.shape_cast %swap3A_657 : vector<1x16xf32> to vector<16xf32>
            %swap3A_659 = vector.shape_cast %add3A_649 : vector<16xf32> to vector<1x16xf32>
            tpu.vector_store %swap3A_654[%swap3A_655, %swap3A_656], %swap3A_659 {strides = array<i32>} : memref<8x128xf32, #tpu.memory_space<vmem>>, vector<1x16xf32>,
            %select_n3A_660 = arith.select %ge3A_378, %div3A_476, %broadcast_in_dim3A_381 : vector<16xi1>, vector<16xf32>
            %select_n3A_661 = arith.select %ge3A_497, %div3A_595, %broadcast_in_dim3A_381 : vector<16xi1>, vector<16xf32>
            %add3A_662 = arith.addf %select_n3A_660, %select_n3A_661 : vector<16xf32>
            %swap3A_663 = arith.constant 5 : i32
            %swap3A_664 = arith.constant 0 : i32
            %swap3A_665 = arith.constant 0 : i32
            %swap3A_666 = tpu.memref_slice %run_scoped3A_18[%rem3A_224, %swap3A_664, %swap3A_665] : memref<2x8x128xf32, #tpu.memory_space<vmem>> -> memref<1x8x128xf32, #tpu.memory_space<vmem>>
            %swap3A_667 = tpu.memref_squeeze %swap3A_666 : memref<1x8x128xf32, #tpu.memory_space<vmem>> -> memref<8x128xf32, #tpu.memory_space<vmem>>
            %swap3A_668 = arith.index_cast %swap3A_663 : i32 to index
            %swap3A_669 = arith.index_cast %add3A_295 : i32 to index
            %swap3A_670 = tpu.vector_load %swap3A_667[%swap3A_668, %swap3A_669] {strides = array<i32>} : memref<8x128xf32, #tpu.memory_space<vmem>>, vector<1x16xf32>,
            %swap3A_671 = vector.shape_cast %swap3A_670 : vector<1x16xf32> to vector<16xf32>
            %swap3A_672 = vector.shape_cast %add3A_662 : vector<16xf32> to vector<1x16xf32>
            tpu.vector_store %swap3A_667[%swap3A_668, %swap3A_669], %swap3A_672 {strides = array<i32>} : memref<8x128xf32, #tpu.memory_space<vmem>>, vector<1x16xf32>,
            %select_n3A_673 = arith.select %ge3A_379, %div3A_476, %broadcast_in_dim3A_381 : vector<16xi1>, vector<16xf32>
            %select_n3A_674 = arith.select %ge3A_498, %div3A_595, %broadcast_in_dim3A_381 : vector<16xi1>, vector<16xf32>
            %add3A_675 = arith.addf %select_n3A_673, %select_n3A_674 : vector<16xf32>
            %swap3A_676 = arith.constant 6 : i32
            %swap3A_677 = arith.constant 0 : i32
            %swap3A_678 = arith.constant 0 : i32
            %swap3A_679 = tpu.memref_slice %run_scoped3A_18[%rem3A_224, %swap3A_677, %swap3A_678] : memref<2x8x128xf32, #tpu.memory_space<vmem>> -> memref<1x8x128xf32, #tpu.memory_space<vmem>>
            %swap3A_680 = tpu.memref_squeeze %swap3A_679 : memref<1x8x128xf32, #tpu.memory_space<vmem>> -> memref<8x128xf32, #tpu.memory_space<vmem>>
            %swap3A_681 = arith.index_cast %swap3A_676 : i32 to index
            %swap3A_682 = arith.index_cast %add3A_295 : i32 to index
            %swap3A_683 = tpu.vector_load %swap3A_680[%swap3A_681, %swap3A_682] {strides = array<i32>} : memref<8x128xf32, #tpu.memory_space<vmem>>, vector<1x16xf32>,
            %swap3A_684 = vector.shape_cast %swap3A_683 : vector<1x16xf32> to vector<16xf32>
            %swap3A_685 = vector.shape_cast %add3A_675 : vector<16xf32> to vector<1x16xf32>
            tpu.vector_store %swap3A_680[%swap3A_681, %swap3A_682], %swap3A_685 {strides = array<i32>} : memref<8x128xf32, #tpu.memory_space<vmem>>, vector<1x16xf32>,
            %select_n3A_686 = arith.select %ge3A_380, %div3A_476, %broadcast_in_dim3A_381 : vector<16xi1>, vector<16xf32>
            %select_n3A_687 = arith.select %ge3A_499, %div3A_595, %broadcast_in_dim3A_381 : vector<16xi1>, vector<16xf32>
            %add3A_688 = arith.addf %select_n3A_686, %select_n3A_687 : vector<16xf32>
            %swap3A_689 = arith.constant 7 : i32
            %swap3A_690 = arith.constant 0 : i32
            %swap3A_691 = arith.constant 0 : i32
            %swap3A_692 = tpu.memref_slice %run_scoped3A_18[%rem3A_224, %swap3A_690, %swap3A_691] : memref<2x8x128xf32, #tpu.memory_space<vmem>> -> memref<1x8x128xf32, #tpu.memory_space<vmem>>
            %swap3A_693 = tpu.memref_squeeze %swap3A_692 : memref<1x8x128xf32, #tpu.memory_space<vmem>> -> memref<8x128xf32, #tpu.memory_space<vmem>>
            %swap3A_694 = arith.index_cast %swap3A_689 : i32 to index
            %swap3A_695 = arith.index_cast %add3A_295 : i32 to index
            %swap3A_696 = tpu.vector_load %swap3A_693[%swap3A_694, %swap3A_695] {strides = array<i32>} : memref<8x128xf32, #tpu.memory_space<vmem>>, vector<1x16xf32>,
            %swap3A_697 = vector.shape_cast %swap3A_696 : vector<1x16xf32> to vector<16xf32>
            %swap3A_698 = vector.shape_cast %add3A_688 : vector<16xf32> to vector<1x16xf32>
            tpu.vector_store %swap3A_693[%swap3A_694, %swap3A_695], %swap3A_698 {strides = array<i32>} : memref<8x128xf32, #tpu.memory_space<vmem>>, vector<1x16xf32>,
          }
          %scan3A_230 = arith.constant 8 : i32
          "tpu.trace_stop"() : () -> ()
          %ne3A_231 = arith.cmpi ne, %add3A_155, %add3A_173 : i32
          %or3A_232 = arith.constant false
          %or3A_233 = arith.ori %or3A_232, %ne3A_231 : i1
          %or3A_234 = arith.ori %or3A_233, %eq3A_154 : i1
          %convert_element_type3A_235 = arith.extui %or3A_234 : i1 to i32
          %cond3A_236 = arith.constant 0 : i32
          %cond3A_237 = arith.cmpi ne, %convert_element_type3A_235, %cond3A_236 : i32
          scf.if %cond3A_237 {
          } else {
          }
          %and3A_238 = arith.constant false
          %and3A_239 = arith.andi %or3A_234, %and3A_238 : i1
          %ne3A_240 = arith.cmpi ne, %add3A_155, %add3A_173 : i32
          %or3A_241 = arith.constant false
          %or3A_242 = arith.ori %or3A_241, %ne3A_240 : i1
          %or3A_243 = arith.ori %or3A_242, %eq3A_154 : i1
          %convert_element_type3A_244 = arith.extui %or3A_243 : i1 to i32
          %cond3A_245 = arith.constant 0 : i32
          %cond3A_246 = arith.cmpi ne, %convert_element_type3A_244, %cond3A_245 : i32
          scf.if %cond3A_246 {
            "tpu.trace_start"() <{level = 10 : i32, message = "ep_copy_out"}> : () -> ()
            %rem3A_291 = arith.constant 2 : i32
            %rem3A_292 = arith.remui %while3A_145, %rem3A_291 : i32
            %mul3A_293 = arith.constant 128 : i32
            %mul3A_294 = arith.muli %mul3A_293, %add3A_155 : i32
            %dma_start3A_295 = arith.constant 0 : i32
            %dma_start3A_296 = arith.constant 0 : i32
            %dma_start3A_297 = tpu.memref_slice %run_scoped3A_18[%rem3A_292, %dma_start3A_295, %dma_start3A_296] : memref<2x8x128xf32, #tpu.memory_space<vmem>> -> memref<1x8x128xf32, #tpu.memory_space<vmem>>
            %dma_start3A_298 = tpu.memref_squeeze %dma_start3A_297 : memref<1x8x128xf32, #tpu.memory_space<vmem>> -> memref<8x128xf32, #tpu.memory_space<vmem>>
            %dma_start3A_299 = arith.constant 0 : i32
            %dma_start3A_300 = tpu.memref_slice %arg3[%dma_start3A_299, %mul3A_294] : memref<8x256xf32, #tpu.memory_space<hbm>> -> memref<8x128xf32, #tpu.memory_space<hbm>>
            %dma_start3A_301 = tpu.memref_slice %run_scoped3A_19[%rem3A_292] : memref<2x!tpu.dma_semaphore, #tpu.memory_space<semaphore_mem>> -> memref<1x!tpu.dma_semaphore, #tpu.memory_space<semaphore_mem>>
            %dma_start3A_302 = tpu.memref_squeeze %dma_start3A_301 : memref<1x!tpu.dma_semaphore, #tpu.memory_space<semaphore_mem>> -> memref<!tpu.dma_semaphore, #tpu.memory_space<semaphore_mem>>
            %dma_start3A_303 = arith.constant 0 : i32
            %dma_start3A_304 = tpu.memref_slice %arg3[%dma_start3A_303, %mul3A_294] : memref<8x256xf32, #tpu.memory_space<hbm>> -> memref<8x128xf32, #tpu.memory_space<hbm>>
            %dma_start3A_305 = arith.constant 0 : i32
            %dma_start3A_306 = arith.constant 0 : i32
            %dma_start3A_307 = tpu.memref_slice %run_scoped3A_18[%rem3A_292, %dma_start3A_305, %dma_start3A_306] : memref<2x8x128xf32, #tpu.memory_space<vmem>> -> memref<1x8x128xf32, #tpu.memory_space<vmem>>
            %dma_start3A_308 = tpu.memref_squeeze %dma_start3A_307 : memref<1x8x128xf32, #tpu.memory_space<vmem>> -> memref<8x128xf32, #tpu.memory_space<vmem>>
            tpu.enqueue_dma source(%dma_start3A_308 : memref<8x128xf32, #tpu.memory_space<vmem>>) target(%dma_start3A_304 : memref<8x128xf32, #tpu.memory_space<hbm>>) target_semaphore(%dma_start3A_302 : memref<!tpu.dma_semaphore, #tpu.memory_space<semaphore_mem>>)
            "tpu.trace_stop"() : () -> ()
          } else {
          }
          %and3A_247 = arith.constant true
          %and3A_248 = arith.andi %or3A_243, %and3A_247 : i1
          %add3A_249 = arith.constant 1 : i32
          %add3A_250 = arith.addi %while3A_145, %add3A_249 : i32
          %select_n3A_251 = arith.select %and3A_248, %add3A_250, %while3A_145 : i32
          %ne3A_252 = arith.cmpi ne, %add3A_155, %add3A_165 : i32
          %or3A_253 = arith.constant false
          %or3A_254 = arith.ori %or3A_253, %ne3A_252 : i1
          %not3A_255 = arith.constant true
          %not3A_256 = arith.xori %eq3A_151, %not3A_255 : i1
          %and3A_257 = arith.andi %or3A_254, %not3A_256 : i1
          %convert_element_type3A_258 = arith.extui %and3A_257 : i1 to i32
          %cond3A_259 = arith.constant 0 : i32
          %cond3A_260 = arith.cmpi ne, %convert_element_type3A_258, %cond3A_259 : i32
          scf.if %cond3A_260 {
          } else {
          }
          %and3A_261 = arith.constant false
          %and3A_262 = arith.andi %and3A_257, %and3A_261 : i1
          %ne3A_263 = arith.cmpi ne, %add3A_155, %add3A_165 : i32
          %or3A_264 = arith.constant false
          %or3A_265 = arith.ori %or3A_264, %ne3A_263 : i1
          %not3A_266 = arith.constant true
          %not3A_267 = arith.xori %eq3A_151, %not3A_266 : i1
          %and3A_268 = arith.andi %or3A_265, %not3A_267 : i1
          %convert_element_type3A_269 = arith.extui %and3A_268 : i1 to i32
          %cond3A_270 = arith.constant 0 : i32
          %cond3A_271 = arith.cmpi ne, %convert_element_type3A_269, %cond3A_270 : i32
          scf.if %cond3A_271 {
            "tpu.trace_start"() <{level = 10 : i32, message = "ep_wait_out"}> : () -> ()
            %rem3A_291 = arith.constant 2 : i32
            %rem3A_292 = arith.remui %while3A_146, %rem3A_291 : i32
            %mul3A_293 = arith.constant 128 : i32
            %mul3A_294 = arith.muli %mul3A_293, %add3A_165 : i32
            %dma_wait3A = arith.constant 0 : i32
            %dma_wait3A_295 = arith.constant 0 : i32
            %dma_wait3A_296 = tpu.memref_slice %run_scoped3A_18[%rem3A_292, %dma_wait3A, %dma_wait3A_295] : memref<2x8x128xf32, #tpu.memory_space<vmem>> -> memref<1x8x128xf32, #tpu.memory_space<vmem>>
            %dma_wait3A_297 = tpu.memref_squeeze %dma_wait3A_296 : memref<1x8x128xf32, #tpu.memory_space<vmem>> -> memref<8x128xf32, #tpu.memory_space<vmem>>
            %dma_wait3A_298 = arith.constant 0 : i32
            %dma_wait3A_299 = tpu.memref_slice %arg3[%dma_wait3A_298, %mul3A_294] : memref<8x256xf32, #tpu.memory_space<hbm>> -> memref<8x128xf32, #tpu.memory_space<hbm>>
            %dma_wait3A_300 = tpu.memref_slice %run_scoped3A_19[%rem3A_292] : memref<2x!tpu.dma_semaphore, #tpu.memory_space<semaphore_mem>> -> memref<1x!tpu.dma_semaphore, #tpu.memory_space<semaphore_mem>>
            %dma_wait3A_301 = tpu.memref_squeeze %dma_wait3A_300 : memref<1x!tpu.dma_semaphore, #tpu.memory_space<semaphore_mem>> -> memref<!tpu.dma_semaphore, #tpu.memory_space<semaphore_mem>>
            %dma_wait3A_302 = arith.constant 0 : i32
            %dma_wait3A_303 = tpu.memref_slice %arg3[%dma_wait3A_302, %mul3A_294] : memref<8x256xf32, #tpu.memory_space<hbm>> -> memref<8x128xf32, #tpu.memory_space<hbm>>
            %dma_wait3A_304 = arith.constant 0 : i32
            %dma_wait3A_305 = arith.constant 0 : i32
            %dma_wait3A_306 = tpu.memref_slice %run_scoped3A_18[%rem3A_292, %dma_wait3A_304, %dma_wait3A_305] : memref<2x8x128xf32, #tpu.memory_space<vmem>> -> memref<1x8x128xf32, #tpu.memory_space<vmem>>
            %dma_wait3A_307 = tpu.memref_squeeze %dma_wait3A_306 : memref<1x8x128xf32, #tpu.memory_space<vmem>> -> memref<8x128xf32, #tpu.memory_space<vmem>>
            tpu.wait_dma2 semaphore(%dma_wait3A_301 : memref<!tpu.dma_semaphore, #tpu.memory_space<semaphore_mem>>) src(%dma_wait3A_307 : memref<8x128xf32, #tpu.memory_space<vmem>>) dst(%dma_wait3A_303 : memref<8x128xf32, #tpu.memory_space<hbm>>)
            "tpu.trace_stop"() : () -> ()
          } else {
          }
          %and3A_272 = arith.constant true
          %and3A_273 = arith.andi %and3A_268, %and3A_272 : i1
          %add3A_274 = arith.constant 1 : i32
          %add3A_275 = arith.addi %while3A_146, %add3A_274 : i32
          %select_n3A_276 = arith.select %and3A_273, %add3A_275, %while3A_146 : i32
          %ne3A_277 = arith.cmpi ne, %add3A_155, %add3A_173 : i32
          %or3A_278 = arith.constant false
          %or3A_279 = arith.ori %or3A_278, %ne3A_277 : i1
          %or3A_280 = arith.ori %or3A_279, %eq3A_154 : i1
          %add3A_281 = arith.constant 1 : i32
          %add3A_282 = arith.addi %while3A_144, %add3A_281 : i32
          %select_n3A_283 = arith.select %or3A_280, %add3A_282, %while3A_144 : i32
          %add3A_284 = arith.constant 1 : i32
          %add3A_285 = arith.addi %while3A_147, %add3A_284 : i32
          %select_n3A_286 = arith.constant true
          %select_n3A_287 = arith.select %select_n3A_286, %add3A_285, %while3A_147 : i32
          %eq3A_288 = arith.cmpi eq, %select_n3A_287, %select_n3A : i32
          %select_n3A_289 = arith.constant 0 : i32
          %select_n3A_290 = arith.select %eq3A_288, %select_n3A_289, %select_n3A_287 : i32
          scf.yield %select_n3A_195, %select_n3A_283, %select_n3A_251, %select_n3A_276, %select_n3A_290 : i32, i32, i32, i32, i32
        }
        %while3A_89 = arith.constant 1 : i32
        %while3A_90:5 = scf.for %while3A_142 = %while3A_86 to %while3A_82 step %while3A_89 iter_args(%while3A_143 = %while3A_88#0, %while3A_144 = %while3A_88#1, %while3A_145 = %while3A_88#2, %while3A_146 = %while3A_88#3, %while3A_147 = %while3A_88#4) -> (i32, i32, i32, i32, i32)  : i32 {
          %mul3A_148 = arith.constant 1 : i32
          %mul3A_149 = arith.muli %mul3A_148, %select_n3A : i32
          %eq3A_150 = arith.constant 0 : i32
          %eq3A_151 = arith.cmpi eq, %while3A_142, %eq3A_150 : i32
          %sub3A_152 = arith.constant 1 : i32
          %sub3A_153 = arith.subi %mul3A_149, %sub3A_152 : i32
          %eq3A_154 = arith.cmpi eq, %while3A_142, %sub3A_153 : i32
          %add3A_155 = arith.addi %while3A_147, %select_n3A_14 : i32
          %sub3A_156 = arith.constant 1 : i32
          %sub3A_157 = arith.subi %while3A_147, %sub3A_156 : i32
          %select_n3A_158 = arith.constant true
          %select_n3A_159 = arith.select %select_n3A_158, %sub3A_157, %while3A_147 : i32
          %eq3A_160 = arith.constant -1 : i32
          %eq3A_161 = arith.cmpi eq, %select_n3A_159, %eq3A_160 : i32
          %sub3A_162 = arith.constant 1 : i32
          %sub3A_163 = arith.subi %select_n3A, %sub3A_162 : i32
          %select_n3A_164 = arith.select %eq3A_161, %sub3A_163, %select_n3A_159 : i32
          %add3A_165 = arith.addi %select_n3A_164, %select_n3A_14 : i32
          %add3A_166 = arith.constant 1 : i32
          %add3A_167 = arith.addi %while3A_147, %add3A_166 : i32
          %select_n3A_168 = arith.constant true
          %select_n3A_169 = arith.select %select_n3A_168, %add3A_167, %while3A_147 : i32
          %eq3A_170 = arith.cmpi eq, %select_n3A_169, %select_n3A : i32
          %select_n3A_171 = arith.constant 0 : i32
          %select_n3A_172 = arith.select %eq3A_170, %select_n3A_171, %select_n3A_169 : i32
          %add3A_173 = arith.addi %select_n3A_172, %select_n3A_14 : i32
          %add3A_174 = arith.constant 1 : i32
          %add3A_175 = arith.addi %select_n3A_172, %add3A_174 : i32
          %select_n3A_176 = arith.constant true
          %select_n3A_177 = arith.select %select_n3A_176, %add3A_175, %select_n3A_172 : i32
          %eq3A_178 = arith.cmpi eq, %select_n3A_177, %select_n3A : i32
          %select_n3A_179 = arith.constant 0 : i32
          %select_n3A_180 = arith.select %eq3A_178, %select_n3A_179, %select_n3A_177 : i32
          %add3A_181 = arith.addi %select_n3A_180, %select_n3A_14 : i32
          %ne3A = arith.cmpi ne, %add3A_155, %add3A_173 : i32
          %or3A = arith.constant false
          %or3A_182 = arith.ori %or3A, %ne3A : i1
          %sub3A_183 = arith.constant 2 : i32
          %sub3A_184 = arith.subi %mul3A_149, %sub3A_183 : i32
          %add3A_185 = arith.constant 1 : i32
          %add3A_186 = arith.addi %sub3A_184, %add3A_185 : i32
          %ge3A = arith.cmpi sge, %while3A_142, %add3A_186 : i32
          %not3A = arith.constant true
          %not3A_187 = arith.xori %ge3A, %not3A : i1
          %and3A = arith.andi %or3A_182, %not3A_187 : i1
          %convert_element_type3A_188 = arith.extui %and3A : i1 to i32
          %cond3A_189 = arith.constant 0 : i32
          %cond3A_190 = arith.cmpi ne, %convert_element_type3A_188, %cond3A_189 : i32
          scf.if %cond3A_190 {
            "tpu.trace_start"() <{level = 10 : i32, message = "ep_copy_in"}> : () -> ()
            %rem3A_291 = arith.constant 2 : i32
            %rem3A_292 = arith.remui %while3A_143, %rem3A_291 : i32
            %mul3A_293 = arith.constant 128 : i32
            %mul3A_294 = arith.muli %mul3A_293, %add3A_173 : i32
            %dma_start3A_295 = arith.constant 0 : i32
            %dma_start3A_296 = arith.constant 0 : i32
            %dma_start3A_297 = tpu.memref_slice %run_scoped3A[%rem3A_292, %dma_start3A_295, %dma_start3A_296] : memref<2x8x128xf32, #tpu.memory_space<vmem>> -> memref<1x8x128xf32, #tpu.memory_space<vmem>>
            %dma_start3A_298 = tpu.memref_squeeze %dma_start3A_297 : memref<1x8x128xf32, #tpu.memory_space<vmem>> -> memref<8x128xf32, #tpu.memory_space<vmem>>
            %dma_start3A_299 = arith.constant 0 : i32
            %dma_start3A_300 = tpu.memref_slice %arg2[%dma_start3A_299, %mul3A_294] : memref<8x256xf32, #tpu.memory_space<hbm>> -> memref<8x128xf32, #tpu.memory_space<hbm>>
            %dma_start3A_301 = tpu.memref_slice %run_scoped3A_17[%rem3A_292] : memref<2x!tpu.dma_semaphore, #tpu.memory_space<semaphore_mem>> -> memref<1x!tpu.dma_semaphore, #tpu.memory_space<semaphore_mem>>
            %dma_start3A_302 = tpu.memref_squeeze %dma_start3A_301 : memref<1x!tpu.dma_semaphore, #tpu.memory_space<semaphore_mem>> -> memref<!tpu.dma_semaphore, #tpu.memory_space<semaphore_mem>>
            %dma_start3A_303 = arith.constant 0 : i32
            %dma_start3A_304 = arith.constant 0 : i32
            %dma_start3A_305 = tpu.memref_slice %run_scoped3A[%rem3A_292, %dma_start3A_303, %dma_start3A_304] : memref<2x8x128xf32, #tpu.memory_space<vmem>> -> memref<1x8x128xf32, #tpu.memory_space<vmem>>
            %dma_start3A_306 = tpu.memref_squeeze %dma_start3A_305 : memref<1x8x128xf32, #tpu.memory_space<vmem>> -> memref<8x128xf32, #tpu.memory_space<vmem>>
            %dma_start3A_307 = arith.constant 0 : i32
            %dma_start3A_308 = tpu.memref_slice %arg2[%dma_start3A_307, %mul3A_294] : memref<8x256xf32, #tpu.memory_space<hbm>> -> memref<8x128xf32, #tpu.memory_space<hbm>>
            tpu.enqueue_dma source(%dma_start3A_308 : memref<8x128xf32, #tpu.memory_space<hbm>>) target(%dma_start3A_306 : memref<8x128xf32, #tpu.memory_space<vmem>>) target_semaphore(%dma_start3A_302 : memref<!tpu.dma_semaphore, #tpu.memory_space<semaphore_mem>>)
            "tpu.trace_stop"() : () -> ()
          } else {
          }
          %and3A_191 = arith.constant true
          %and3A_192 = arith.andi %and3A, %and3A_191 : i1
          %add3A_193 = arith.constant 1 : i32
          %add3A_194 = arith.addi %while3A_143, %add3A_193 : i32
          %select_n3A_195 = arith.select %and3A_192, %add3A_194, %while3A_143 : i32
          %ne3A_196 = arith.cmpi ne, %add3A_155, %add3A_173 : i32
          %or3A_197 = arith.constant false
          %or3A_198 = arith.ori %or3A_197, %ne3A_196 : i1
          %sub3A_199 = arith.constant 2 : i32
          %sub3A_200 = arith.subi %mul3A_149, %sub3A_199 : i32
          %add3A_201 = arith.constant 1 : i32
          %add3A_202 = arith.addi %sub3A_200, %add3A_201 : i32
          %ge3A_203 = arith.cmpi sge, %while3A_142, %add3A_202 : i32
          %not3A_204 = arith.constant true
          %not3A_205 = arith.xori %ge3A_203, %not3A_204 : i1
          %and3A_206 = arith.andi %or3A_198, %not3A_205 : i1
          %ne3A_207 = arith.cmpi ne, %add3A_155, %add3A_165 : i32
          %or3A_208 = arith.constant false
          %or3A_209 = arith.ori %or3A_208, %ne3A_207 : i1
          %or3A_210 = arith.ori %or3A_209, %eq3A_151 : i1
          %convert_element_type3A_211 = arith.extui %or3A_210 : i1 to i32
          %cond3A_212 = arith.constant 0 : i32
          %cond3A_213 = arith.cmpi ne, %convert_element_type3A_211, %cond3A_212 : i32
          scf.if %cond3A_213 {
            "tpu.trace_start"() <{level = 10 : i32, message = "ep_wait_in"}> : () -> ()
            %mul3A_291 = arith.constant 128 : i32
            %mul3A_292 = arith.muli %mul3A_291, %add3A_155 : i32
            %rem3A_293 = arith.constant 2 : i32
            %rem3A_294 = arith.remui %while3A_144, %rem3A_293 : i32
            %dma_wait3A = arith.constant 0 : i32
            %dma_wait3A_295 = arith.constant 0 : i32
            %dma_wait3A_296 = tpu.memref_slice %run_scoped3A[%rem3A_294, %dma_wait3A, %dma_wait3A_295] : memref<2x8x128xf32, #tpu.memory_space<vmem>> -> memref<1x8x128xf32, #tpu.memory_space<vmem>>
            %dma_wait3A_297 = tpu.memref_squeeze %dma_wait3A_296 : memref<1x8x128xf32, #tpu.memory_space<vmem>> -> memref<8x128xf32, #tpu.memory_space<vmem>>
            %dma_wait3A_298 = arith.constant 0 : i32
            %dma_wait3A_299 = tpu.memref_slice %arg2[%dma_wait3A_298, %mul3A_292] : memref<8x256xf32, #tpu.memory_space<hbm>> -> memref<8x128xf32, #tpu.memory_space<hbm>>
            %dma_wait3A_300 = tpu.memref_slice %run_scoped3A_17[%rem3A_294] : memref<2x!tpu.dma_semaphore, #tpu.memory_space<semaphore_mem>> -> memref<1x!tpu.dma_semaphore, #tpu.memory_space<semaphore_mem>>
            %dma_wait3A_301 = tpu.memref_squeeze %dma_wait3A_300 : memref<1x!tpu.dma_semaphore, #tpu.memory_space<semaphore_mem>> -> memref<!tpu.dma_semaphore, #tpu.memory_space<semaphore_mem>>
            %dma_wait3A_302 = arith.constant 0 : i32
            %dma_wait3A_303 = arith.constant 0 : i32
            %dma_wait3A_304 = tpu.memref_slice %run_scoped3A[%rem3A_294, %dma_wait3A_302, %dma_wait3A_303] : memref<2x8x128xf32, #tpu.memory_space<vmem>> -> memref<1x8x128xf32, #tpu.memory_space<vmem>>
            %dma_wait3A_305 = tpu.memref_squeeze %dma_wait3A_304 : memref<1x8x128xf32, #tpu.memory_space<vmem>> -> memref<8x128xf32, #tpu.memory_space<vmem>>
            %dma_wait3A_306 = arith.constant 0 : i32
            %dma_wait3A_307 = tpu.memref_slice %arg2[%dma_wait3A_306, %mul3A_292] : memref<8x256xf32, #tpu.memory_space<hbm>> -> memref<8x128xf32, #tpu.memory_space<hbm>>
            tpu.wait_dma2 semaphore(%dma_wait3A_301 : memref<!tpu.dma_semaphore, #tpu.memory_space<semaphore_mem>>) src(%dma_wait3A_307 : memref<8x128xf32, #tpu.memory_space<hbm>>) dst(%dma_wait3A_305 : memref<8x128xf32, #tpu.memory_space<vmem>>)
            "tpu.trace_stop"() : () -> ()
          } else {
          }
          %ne3A_214 = arith.cmpi ne, %add3A_155, %add3A_165 : i32
          %or3A_215 = arith.constant false
          %or3A_216 = arith.ori %or3A_215, %ne3A_214 : i1
          %or3A_217 = arith.ori %or3A_216, %eq3A_151 : i1
          %convert_element_type3A_218 = arith.extui %or3A_217 : i1 to i32
          %cond3A_219 = arith.constant 0 : i32
          %cond3A_220 = arith.cmpi ne, %convert_element_type3A_218, %cond3A_219 : i32
          scf.if %cond3A_220 {
          } else {
          }
          %rem3A_221 = arith.constant 2 : i32
          %rem3A_222 = arith.remui %while3A_144, %rem3A_221 : i32
          %rem3A_223 = arith.constant 2 : i32
          %rem3A_224 = arith.remui %while3A_145, %rem3A_223 : i32
          "tpu.trace_start"() <{level = 10 : i32, message = "ep_run_kernel"}> : () -> ()
          %scan3A = arith.constant 0xFF800000 : f32
          %scan3A_225 = arith.constant 2.000000e-02 : f32
          %scan3A_226 = arith.constant 0 : i32
          %scan3A_227 = arith.constant 8 : i32
          %scan3A_228 = arith.addi %scan3A_226, %scan3A_227 : i32
          %scan3A_229 = arith.constant 1 : i32
          scf.for %scan3A_291 = %scan3A_226 to %scan3A_228 step %scan3A_229  : i32 {
            %mul3A_292 = arith.constant 16 : i32
            %mul3A_293 = arith.muli %scan3A_291, %mul3A_292 : i32
            %add3A_294 = arith.constant 0 : i32
            %add3A_295 = arith.addi %add3A_294, %mul3A_293 : i32
            %get3A = arith.constant 0 : i32
            %get3A_296 = arith.constant 0 : i32
            %get3A_297 = arith.constant 0 : i32
            %get3A_298 = tpu.memref_slice %run_scoped3A[%rem3A_222, %get3A_296, %get3A_297] : memref<2x8x128xf32, #tpu.memory_space<vmem>> -> memref<1x8x128xf32, #tpu.memory_space<vmem>>
            %get3A_299 = tpu.memref_squeeze %get3A_298 : memref<1x8x128xf32, #tpu.memory_space<vmem>> -> memref<8x128xf32, #tpu.memory_space<vmem>>
            %get3A_300 = arith.index_cast %get3A : i32 to index
            %get3A_301 = arith.index_cast %add3A_295 : i32 to index
            %get3A_302 = tpu.vector_load %get3A_299[%get3A_300, %get3A_301] {strides = array<i32>} : memref<8x128xf32, #tpu.memory_space<vmem>>, vector<1x16xf32>,
            %get3A_303 = vector.shape_cast %get3A_302 : vector<1x16xf32> to vector<16xf32>
            %get3A_304 = arith.constant 1 : i32
            %get3A_305 = arith.constant 0 : i32
            %get3A_306 = arith.constant 0 : i32
            %get3A_307 = tpu.memref_slice %run_scoped3A[%rem3A_222, %get3A_305, %get3A_306] : memref<2x8x128xf32, #tpu.memory_space<vmem>> -> memref<1x8x128xf32, #tpu.memory_space<vmem>>
            %get3A_308 = tpu.memref_squeeze %get3A_307 : memref<1x8x128xf32, #tpu.memory_space<vmem>> -> memref<8x128xf32, #tpu.memory_space<vmem>>
            %get3A_309 = arith.index_cast %get3A_304 : i32 to index
            %get3A_310 = arith.index_cast %add3A_295 : i32 to index
            %get3A_311 = tpu.vector_load %get3A_308[%get3A_309, %get3A_310] {strides = array<i32>} : memref<8x128xf32, #tpu.memory_space<vmem>>, vector<1x16xf32>,
            %get3A_312 = vector.shape_cast %get3A_311 : vector<1x16xf32> to vector<16xf32>
            %get3A_313 = arith.constant 2 : i32
            %get3A_314 = arith.constant 0 : i32
            %get3A_315 = arith.constant 0 : i32
            %get3A_316 = tpu.memref_slice %run_scoped3A[%rem3A_222, %get3A_314, %get3A_315] : memref<2x8x128xf32, #tpu.memory_space<vmem>> -> memref<1x8x128xf32, #tpu.memory_space<vmem>>
            %get3A_317 = tpu.memref_squeeze %get3A_316 : memref<1x8x128xf32, #tpu.memory_space<vmem>> -> memref<8x128xf32, #tpu.memory_space<vmem>>
            %get3A_318 = arith.index_cast %get3A_313 : i32 to index
            %get3A_319 = arith.index_cast %add3A_295 : i32 to index
            %get3A_320 = tpu.vector_load %get3A_317[%get3A_318, %get3A_319] {strides = array<i32>} : memref<8x128xf32, #tpu.memory_space<vmem>>, vector<1x16xf32>,
            %get3A_321 = vector.shape_cast %get3A_320 : vector<1x16xf32> to vector<16xf32>
            %get3A_322 = arith.constant 3 : i32
            %get3A_323 = arith.constant 0 : i32
            %get3A_324 = arith.constant 0 : i32
            %get3A_325 = tpu.memref_slice %run_scoped3A[%rem3A_222, %get3A_323, %get3A_324] : memref<2x8x128xf32, #tpu.memory_space<vmem>> -> memref<1x8x128xf32, #tpu.memory_space<vmem>>
            %get3A_326 = tpu.memref_squeeze %get3A_325 : memref<1x8x128xf32, #tpu.memory_space<vmem>> -> memref<8x128xf32, #tpu.memory_space<vmem>>
            %get3A_327 = arith.index_cast %get3A_322 : i32 to index
            %get3A_328 = arith.index_cast %add3A_295 : i32 to index
            %get3A_329 = tpu.vector_load %get3A_326[%get3A_327, %get3A_328] {strides = array<i32>} : memref<8x128xf32, #tpu.memory_space<vmem>>, vector<1x16xf32>,
            %get3A_330 = vector.shape_cast %get3A_329 : vector<1x16xf32> to vector<16xf32>
            %get3A_331 = arith.constant 4 : i32
            %get3A_332 = arith.constant 0 : i32
            %get3A_333 = arith.constant 0 : i32
            %get3A_334 = tpu.memref_slice %run_scoped3A[%rem3A_222, %get3A_332, %get3A_333] : memref<2x8x128xf32, #tpu.memory_space<vmem>> -> memref<1x8x128xf32, #tpu.memory_space<vmem>>
            %get3A_335 = tpu.memref_squeeze %get3A_334 : memref<1x8x128xf32, #tpu.memory_space<vmem>> -> memref<8x128xf32, #tpu.memory_space<vmem>>
            %get3A_336 = arith.index_cast %get3A_331 : i32 to index
            %get3A_337 = arith.index_cast %add3A_295 : i32 to index
            %get3A_338 = tpu.vector_load %get3A_335[%get3A_336, %get3A_337] {strides = array<i32>} : memref<8x128xf32, #tpu.memory_space<vmem>>, vector<1x16xf32>,
            %get3A_339 = vector.shape_cast %get3A_338 : vector<1x16xf32> to vector<16xf32>
            %get3A_340 = arith.constant 5 : i32
            %get3A_341 = arith.constant 0 : i32
            %get3A_342 = arith.constant 0 : i32
            %get3A_343 = tpu.memref_slice %run_scoped3A[%rem3A_222, %get3A_341, %get3A_342] : memref<2x8x128xf32, #tpu.memory_space<vmem>> -> memref<1x8x128xf32, #tpu.memory_space<vmem>>
            %get3A_344 = tpu.memref_squeeze %get3A_343 : memref<1x8x128xf32, #tpu.memory_space<vmem>> -> memref<8x128xf32, #tpu.memory_space<vmem>>
            %get3A_345 = arith.index_cast %get3A_340 : i32 to index
            %get3A_346 = arith.index_cast %add3A_295 : i32 to index
            %get3A_347 = tpu.vector_load %get3A_344[%get3A_345, %get3A_346] {strides = array<i32>} : memref<8x128xf32, #tpu.memory_space<vmem>>, vector<1x16xf32>,
            %get3A_348 = vector.shape_cast %get3A_347 : vector<1x16xf32> to vector<16xf32>
            %get3A_349 = arith.constant 6 : i32
            %get3A_350 = arith.constant 0 : i32
            %get3A_351 = arith.constant 0 : i32
            %get3A_352 = tpu.memref_slice %run_scoped3A[%rem3A_222, %get3A_350, %get3A_351] : memref<2x8x128xf32, #tpu.memory_space<vmem>> -> memref<1x8x128xf32, #tpu.memory_space<vmem>>
            %get3A_353 = tpu.memref_squeeze %get3A_352 : memref<1x8x128xf32, #tpu.memory_space<vmem>> -> memref<8x128xf32, #tpu.memory_space<vmem>>
            %get3A_354 = arith.index_cast %get3A_349 : i32 to index
            %get3A_355 = arith.index_cast %add3A_295 : i32 to index
            %get3A_356 = tpu.vector_load %get3A_353[%get3A_354, %get3A_355] {strides = array<i32>} : memref<8x128xf32, #tpu.memory_space<vmem>>, vector<1x16xf32>,
            %get3A_357 = vector.shape_cast %get3A_356 : vector<1x16xf32> to vector<16xf32>
            %get3A_358 = arith.constant 7 : i32
            %get3A_359 = arith.constant 0 : i32
            %get3A_360 = arith.constant 0 : i32
            %get3A_361 = tpu.memref_slice %run_scoped3A[%rem3A_222, %get3A_359, %get3A_360] : memref<2x8x128xf32, #tpu.memory_space<vmem>> -> memref<1x8x128xf32, #tpu.memory_space<vmem>>
            %get3A_362 = tpu.memref_squeeze %get3A_361 : memref<1x8x128xf32, #tpu.memory_space<vmem>> -> memref<8x128xf32, #tpu.memory_space<vmem>>
            %get3A_363 = arith.index_cast %get3A_358 : i32 to index
            %get3A_364 = arith.index_cast %add3A_295 : i32 to index
            %get3A_365 = tpu.vector_load %get3A_362[%get3A_363, %get3A_364] {strides = array<i32>} : memref<8x128xf32, #tpu.memory_space<vmem>>, vector<1x16xf32>,
            %get3A_366 = vector.shape_cast %get3A_365 : vector<1x16xf32> to vector<16xf32>
            %max3A = arith.maximumf %get3A_303, %get3A_312 : vector<16xf32>
            %max3A_367 = arith.maximumf %max3A, %get3A_321 : vector<16xf32>
            %max3A_368 = arith.maximumf %max3A_367, %get3A_330 : vector<16xf32>
            %max3A_369 = arith.maximumf %max3A_368, %get3A_339 : vector<16xf32>
            %max3A_370 = arith.maximumf %max3A_369, %get3A_348 : vector<16xf32>
            %max3A_371 = arith.maximumf %max3A_370, %get3A_357 : vector<16xf32>
            %max3A_372 = arith.maximumf %max3A_371, %get3A_366 : vector<16xf32>
            %ge3A_373 = arith.cmpf oge, %get3A_303, %max3A_372 : vector<16xf32>
            %ge3A_374 = arith.cmpf oge, %get3A_312, %max3A_372 : vector<16xf32>
            %ge3A_375 = arith.cmpf oge, %get3A_321, %max3A_372 : vector<16xf32>
            %ge3A_376 = arith.cmpf oge, %get3A_330, %max3A_372 : vector<16xf32>
            %ge3A_377 = arith.cmpf oge, %get3A_339, %max3A_372 : vector<16xf32>
            %ge3A_378 = arith.cmpf oge, %get3A_348, %max3A_372 : vector<16xf32>
            %ge3A_379 = arith.cmpf oge, %get3A_357, %max3A_372 : vector<16xf32>
            %ge3A_380 = arith.cmpf oge, %get3A_366, %max3A_372 : vector<16xf32>
            %broadcast_in_dim3A = arith.constant 0.000000e+00 : f32
            %broadcast_in_dim3A_381 = vector.broadcast %broadcast_in_dim3A : f32 to vector<16xf32>
            %add3A_382 = vector.broadcast %scan3A : f32 to vector<16xf32>
            %add3A_383 = arith.addf %broadcast_in_dim3A_381, %add3A_382 : vector<16xf32>
            %sub3A_384 = arith.subf %max3A_372, %get3A_303 : vector<16xf32>
            %abs3A = math.absf %get3A_303 : vector<16xf32>
            %max3A_385 = arith.maximumf %abs3A, %max3A_372 : vector<16xf32>
            %div3A = arith.divf %sub3A_384, %max3A_385 : vector<16xf32>
            %gt3A_386 = vector.broadcast %scan3A_225 : f32 to vector<16xf32>
            %gt3A_387 = arith.cmpf ogt, %div3A, %gt3A_386 : vector<16xf32>
            %select_n3A_388 = arith.select %gt3A_387, %add3A_383, %get3A_303 : vector<16xi1>, vector<16xf32>
            %sub3A_389 = arith.subf %select_n3A_388, %max3A_372 : vector<16xf32>
            %exp3A = math.exp %sub3A_389 : vector<16xf32>
            %sub3A_390 = arith.subf %max3A_372, %get3A_312 : vector<16xf32>
            %abs3A_391 = math.absf %get3A_312 : vector<16xf32>
            %max3A_392 = arith.maximumf %abs3A_391, %max3A_372 : vector<16xf32>
            %div3A_393 = arith.divf %sub3A_390, %max3A_392 : vector<16xf32>
            %gt3A_394 = vector.broadcast %scan3A_225 : f32 to vector<16xf32>
            %gt3A_395 = arith.cmpf ogt, %div3A_393, %gt3A_394 : vector<16xf32>
            %select_n3A_396 = arith.select %gt3A_395, %add3A_383, %get3A_312 : vector<16xi1>, vector<16xf32>
            %sub3A_397 = arith.subf %select_n3A_396, %max3A_372 : vector<16xf32>
            %exp3A_398 = math.exp %sub3A_397 : vector<16xf32>
            %sub3A_399 = arith.subf %max3A_372, %get3A_321 : vector<16xf32>
            %abs3A_400 = math.absf %get3A_321 : vector<16xf32>
            %max3A_401 = arith.maximumf %abs3A_400, %max3A_372 : vector<16xf32>
            %div3A_402 = arith.divf %sub3A_399, %max3A_401 : vector<16xf32>
            %gt3A_403 = vector.broadcast %scan3A_225 : f32 to vector<16xf32>
            %gt3A_404 = arith.cmpf ogt, %div3A_402, %gt3A_403 : vector<16xf32>
            %select_n3A_405 = arith.select %gt3A_404, %add3A_383, %get3A_321 : vector<16xi1>, vector<16xf32>
            %sub3A_406 = arith.subf %select_n3A_405, %max3A_372 : vector<16xf32>
            %exp3A_407 = math.exp %sub3A_406 : vector<16xf32>
            %sub3A_408 = arith.subf %max3A_372, %get3A_330 : vector<16xf32>
            %abs3A_409 = math.absf %get3A_330 : vector<16xf32>
            %max3A_410 = arith.maximumf %abs3A_409, %max3A_372 : vector<16xf32>
            %div3A_411 = arith.divf %sub3A_408, %max3A_410 : vector<16xf32>
            %gt3A_412 = vector.broadcast %scan3A_225 : f32 to vector<16xf32>
            %gt3A_413 = arith.cmpf ogt, %div3A_411, %gt3A_412 : vector<16xf32>
            %select_n3A_414 = arith.select %gt3A_413, %add3A_383, %get3A_330 : vector<16xi1>, vector<16xf32>
            %sub3A_415 = arith.subf %select_n3A_414, %max3A_372 : vector<16xf32>
            %exp3A_416 = math.exp %sub3A_415 : vector<16xf32>
            %sub3A_417 = arith.subf %max3A_372, %get3A_339 : vector<16xf32>
            %abs3A_418 = math.absf %get3A_339 : vector<16xf32>
            %max3A_419 = arith.maximumf %abs3A_418, %max3A_372 : vector<16xf32>
            %div3A_420 = arith.divf %sub3A_417, %max3A_419 : vector<16xf32>
            %gt3A_421 = vector.broadcast %scan3A_225 : f32 to vector<16xf32>
            %gt3A_422 = arith.cmpf ogt, %div3A_420, %gt3A_421 : vector<16xf32>
            %select_n3A_423 = arith.select %gt3A_422, %add3A_383, %get3A_339 : vector<16xi1>, vector<16xf32>
            %sub3A_424 = arith.subf %select_n3A_423, %max3A_372 : vector<16xf32>
            %exp3A_425 = math.exp %sub3A_424 : vector<16xf32>
            %sub3A_426 = arith.subf %max3A_372, %get3A_348 : vector<16xf32>
            %abs3A_427 = math.absf %get3A_348 : vector<16xf32>
            %max3A_428 = arith.maximumf %abs3A_427, %max3A_372 : vector<16xf32>
            %div3A_429 = arith.divf %sub3A_426, %max3A_428 : vector<16xf32>
            %gt3A_430 = vector.broadcast %scan3A_225 : f32 to vector<16xf32>
            %gt3A_431 = arith.cmpf ogt, %div3A_429, %gt3A_430 : vector<16xf32>
            %select_n3A_432 = arith.select %gt3A_431, %add3A_383, %get3A_348 : vector<16xi1>, vector<16xf32>
            %sub3A_433 = arith.subf %select_n3A_432, %max3A_372 : vector<16xf32>
            %exp3A_434 = math.exp %sub3A_433 : vector<16xf32>
            %sub3A_435 = arith.subf %max3A_372, %get3A_357 : vector<16xf32>
            %abs3A_436 = math.absf %get3A_357 : vector<16xf32>
            %max3A_437 = arith.maximumf %abs3A_436, %max3A_372 : vector<16xf32>
            %div3A_438 = arith.divf %sub3A_435, %max3A_437 : vector<16xf32>
            %gt3A_439 = vector.broadcast %scan3A_225 : f32 to vector<16xf32>
            %gt3A_440 = arith.cmpf ogt, %div3A_438, %gt3A_439 : vector<16xf32>
            %select_n3A_441 = arith.select %gt3A_440, %add3A_383, %get3A_357 : vector<16xi1>, vector<16xf32>
            %sub3A_442 = arith.subf %select_n3A_441, %max3A_372 : vector<16xf32>
            %exp3A_443 = math.exp %sub3A_442 : vector<16xf32>
            %sub3A_444 = arith.subf %max3A_372, %get3A_366 : vector<16xf32>
            %abs3A_445 = math.absf %get3A_366 : vector<16xf32>
            %max3A_446 = arith.maximumf %abs3A_445, %max3A_372 : vector<16xf32>
            %div3A_447 = arith.divf %sub3A_444, %max3A_446 : vector<16xf32>
            %gt3A_448 = vector.broadcast %scan3A_225 : f32 to vector<16xf32>
            %gt3A_449 = arith.cmpf ogt, %div3A_447, %gt3A_448 : vector<16xf32>
            %select_n3A_450 = arith.select %gt3A_449, %add3A_383, %get3A_366 : vector<16xi1>, vector<16xf32>
            %sub3A_451 = arith.subf %select_n3A_450, %max3A_372 : vector<16xf32>
            %exp3A_452 = math.exp %sub3A_451 : vector<16xf32>
            %add3A_453 = arith.addf %exp3A, %exp3A_398 : vector<16xf32>
            %add3A_454 = arith.addf %add3A_453, %exp3A_407 : vector<16xf32>
            %add3A_455 = arith.addf %add3A_454, %exp3A_416 : vector<16xf32>
            %add3A_456 = arith.addf %add3A_455, %exp3A_425 : vector<16xf32>
            %add3A_457 = arith.addf %add3A_456, %exp3A_434 : vector<16xf32>
            %add3A_458 = arith.addf %add3A_457, %exp3A_443 : vector<16xf32>
            %add3A_459 = arith.addf %add3A_458, %exp3A_452 : vector<16xf32>
            %select_n3A_460 = arith.select %ge3A_373, %exp3A, %broadcast_in_dim3A_381 : vector<16xi1>, vector<16xf32>
            %add3A_461 = arith.addf %broadcast_in_dim3A_381, %select_n3A_460 : vector<16xf32>
            %select_n3A_462 = arith.select %ge3A_374, %exp3A_398, %broadcast_in_dim3A_381 : vector<16xi1>, vector<16xf32>
            %add3A_463 = arith.addf %add3A_461, %select_n3A_462 : vector<16xf32>
            %select_n3A_464 = arith.select %ge3A_375, %exp3A_407, %broadcast_in_dim3A_381 : vector<16xi1>, vector<16xf32>
            %add3A_465 = arith.addf %add3A_463, %select_n3A_464 : vector<16xf32>
            %select_n3A_466 = arith.select %ge3A_376, %exp3A_416, %broadcast_in_dim3A_381 : vector<16xi1>, vector<16xf32>
            %add3A_467 = arith.addf %add3A_465, %select_n3A_466 : vector<16xf32>
            %select_n3A_468 = arith.select %ge3A_377, %exp3A_425, %broadcast_in_dim3A_381 : vector<16xi1>, vector<16xf32>
            %add3A_469 = arith.addf %add3A_467, %select_n3A_468 : vector<16xf32>
            %select_n3A_470 = arith.select %ge3A_378, %exp3A_434, %broadcast_in_dim3A_381 : vector<16xi1>, vector<16xf32>
            %add3A_471 = arith.addf %add3A_469, %select_n3A_470 : vector<16xf32>
            %select_n3A_472 = arith.select %ge3A_379, %exp3A_443, %broadcast_in_dim3A_381 : vector<16xi1>, vector<16xf32>
            %add3A_473 = arith.addf %add3A_471, %select_n3A_472 : vector<16xf32>
            %select_n3A_474 = arith.select %ge3A_380, %exp3A_452, %broadcast_in_dim3A_381 : vector<16xi1>, vector<16xf32>
            %add3A_475 = arith.addf %add3A_473, %select_n3A_474 : vector<16xf32>
            %div3A_476 = arith.divf %add3A_475, %add3A_459 : vector<16xf32>
            %select_n3A_477 = arith.select %ge3A_373, %add3A_383, %get3A_303 : vector<16xi1>, vector<16xf32>
            %select_n3A_478 = arith.select %ge3A_374, %add3A_383, %get3A_312 : vector<16xi1>, vector<16xf32>
            %select_n3A_479 = arith.select %ge3A_375, %add3A_383, %get3A_321 : vector<16xi1>, vector<16xf32>
            %select_n3A_480 = arith.select %ge3A_376, %add3A_383, %get3A_330 : vector<16xi1>, vector<16xf32>
            %select_n3A_481 = arith.select %ge3A_377, %add3A_383, %get3A_339 : vector<16xi1>, vector<16xf32>
            %select_n3A_482 = arith.select %ge3A_378, %add3A_383, %get3A_348 : vector<16xi1>, vector<16xf32>
            %select_n3A_483 = arith.select %ge3A_379, %add3A_383, %get3A_357 : vector<16xi1>, vector<16xf32>
            %select_n3A_484 = arith.select %ge3A_380, %add3A_383, %get3A_366 : vector<16xi1>, vector<16xf32>
            %max3A_485 = arith.maximumf %select_n3A_477, %select_n3A_478 : vector<16xf32>
            %max3A_486 = arith.maximumf %max3A_485, %select_n3A_479 : vector<16xf32>
            %max3A_487 = arith.maximumf %max3A_486, %select_n3A_480 : vector<16xf32>
            %max3A_488 = arith.maximumf %max3A_487, %select_n3A_481 : vector<16xf32>
            %max3A_489 = arith.maximumf %max3A_488, %select_n3A_482 : vector<16xf32>
            %max3A_490 = arith.maximumf %max3A_489, %select_n3A_483 : vector<16xf32>
            %max3A_491 = arith.maximumf %max3A_490, %select_n3A_484 : vector<16xf32>
            %ge3A_492 = arith.cmpf oge, %select_n3A_477, %max3A_491 : vector<16xf32>
            %ge3A_493 = arith.cmpf oge, %select_n3A_478, %max3A_491 : vector<16xf32>
            %ge3A_494 = arith.cmpf oge, %select_n3A_479, %max3A_491 : vector<16xf32>
            %ge3A_495 = arith.cmpf oge, %select_n3A_480, %max3A_491 : vector<16xf32>
            %ge3A_496 = arith.cmpf oge, %select_n3A_481, %max3A_491 : vector<16xf32>
            %ge3A_497 = arith.cmpf oge, %select_n3A_482, %max3A_491 : vector<16xf32>
            %ge3A_498 = arith.cmpf oge, %select_n3A_483, %max3A_491 : vector<16xf32>
            %ge3A_499 = arith.cmpf oge, %select_n3A_484, %max3A_491 : vector<16xf32>
            %sub3A_500 = arith.subf %max3A_491, %get3A_303 : vector<16xf32>
            %abs3A_501 = math.absf %get3A_303 : vector<16xf32>
            %max3A_502 = arith.maximumf %abs3A_501, %max3A_491 : vector<16xf32>
            %div3A_503 = arith.divf %sub3A_500, %max3A_502 : vector<16xf32>
            %gt3A_504 = vector.broadcast %scan3A_225 : f32 to vector<16xf32>
            %gt3A_505 = arith.cmpf ogt, %div3A_503, %gt3A_504 : vector<16xf32>
            %select_n3A_506 = arith.select %gt3A_505, %add3A_383, %select_n3A_477 : vector<16xi1>, vector<16xf32>
            %sub3A_507 = arith.subf %select_n3A_506, %max3A_491 : vector<16xf32>
            %exp3A_508 = math.exp %sub3A_507 : vector<16xf32>
            %sub3A_509 = arith.subf %max3A_491, %get3A_312 : vector<16xf32>
            %abs3A_510 = math.absf %get3A_312 : vector<16xf32>
            %max3A_511 = arith.maximumf %abs3A_510, %max3A_491 : vector<16xf32>
            %div3A_512 = arith.divf %sub3A_509, %max3A_511 : vector<16xf32>
            %gt3A_513 = vector.broadcast %scan3A_225 : f32 to vector<16xf32>
            %gt3A_514 = arith.cmpf ogt, %div3A_512, %gt3A_513 : vector<16xf32>
            %select_n3A_515 = arith.select %gt3A_514, %add3A_383, %select_n3A_478 : vector<16xi1>, vector<16xf32>
            %sub3A_516 = arith.subf %select_n3A_515, %max3A_491 : vector<16xf32>
            %exp3A_517 = math.exp %sub3A_516 : vector<16xf32>
            %sub3A_518 = arith.subf %max3A_491, %get3A_321 : vector<16xf32>
            %abs3A_519 = math.absf %get3A_321 : vector<16xf32>
            %max3A_520 = arith.maximumf %abs3A_519, %max3A_491 : vector<16xf32>
            %div3A_521 = arith.divf %sub3A_518, %max3A_520 : vector<16xf32>
            %gt3A_522 = vector.broadcast %scan3A_225 : f32 to vector<16xf32>
            %gt3A_523 = arith.cmpf ogt, %div3A_521, %gt3A_522 : vector<16xf32>
            %select_n3A_524 = arith.select %gt3A_523, %add3A_383, %select_n3A_479 : vector<16xi1>, vector<16xf32>
            %sub3A_525 = arith.subf %select_n3A_524, %max3A_491 : vector<16xf32>
            %exp3A_526 = math.exp %sub3A_525 : vector<16xf32>
            %sub3A_527 = arith.subf %max3A_491, %get3A_330 : vector<16xf32>
            %abs3A_528 = math.absf %get3A_330 : vector<16xf32>
            %max3A_529 = arith.maximumf %abs3A_528, %max3A_491 : vector<16xf32>
            %div3A_530 = arith.divf %sub3A_527, %max3A_529 : vector<16xf32>
            %gt3A_531 = vector.broadcast %scan3A_225 : f32 to vector<16xf32>
            %gt3A_532 = arith.cmpf ogt, %div3A_530, %gt3A_531 : vector<16xf32>
            %select_n3A_533 = arith.select %gt3A_532, %add3A_383, %select_n3A_480 : vector<16xi1>, vector<16xf32>
            %sub3A_534 = arith.subf %select_n3A_533, %max3A_491 : vector<16xf32>
            %exp3A_535 = math.exp %sub3A_534 : vector<16xf32>
            %sub3A_536 = arith.subf %max3A_491, %get3A_339 : vector<16xf32>
            %abs3A_537 = math.absf %get3A_339 : vector<16xf32>
            %max3A_538 = arith.maximumf %abs3A_537, %max3A_491 : vector<16xf32>
            %div3A_539 = arith.divf %sub3A_536, %max3A_538 : vector<16xf32>
            %gt3A_540 = vector.broadcast %scan3A_225 : f32 to vector<16xf32>
            %gt3A_541 = arith.cmpf ogt, %div3A_539, %gt3A_540 : vector<16xf32>
            %select_n3A_542 = arith.select %gt3A_541, %add3A_383, %select_n3A_481 : vector<16xi1>, vector<16xf32>
            %sub3A_543 = arith.subf %select_n3A_542, %max3A_491 : vector<16xf32>
            %exp3A_544 = math.exp %sub3A_543 : vector<16xf32>
            %sub3A_545 = arith.subf %max3A_491, %get3A_348 : vector<16xf32>
            %abs3A_546 = math.absf %get3A_348 : vector<16xf32>
            %max3A_547 = arith.maximumf %abs3A_546, %max3A_491 : vector<16xf32>
            %div3A_548 = arith.divf %sub3A_545, %max3A_547 : vector<16xf32>
            %gt3A_549 = vector.broadcast %scan3A_225 : f32 to vector<16xf32>
            %gt3A_550 = arith.cmpf ogt, %div3A_548, %gt3A_549 : vector<16xf32>
            %select_n3A_551 = arith.select %gt3A_550, %add3A_383, %select_n3A_482 : vector<16xi1>, vector<16xf32>
            %sub3A_552 = arith.subf %select_n3A_551, %max3A_491 : vector<16xf32>
            %exp3A_553 = math.exp %sub3A_552 : vector<16xf32>
            %sub3A_554 = arith.subf %max3A_491, %get3A_357 : vector<16xf32>
            %abs3A_555 = math.absf %get3A_357 : vector<16xf32>
            %max3A_556 = arith.maximumf %abs3A_555, %max3A_491 : vector<16xf32>
            %div3A_557 = arith.divf %sub3A_554, %max3A_556 : vector<16xf32>
            %gt3A_558 = vector.broadcast %scan3A_225 : f32 to vector<16xf32>
            %gt3A_559 = arith.cmpf ogt, %div3A_557, %gt3A_558 : vector<16xf32>
            %select_n3A_560 = arith.select %gt3A_559, %add3A_383, %select_n3A_483 : vector<16xi1>, vector<16xf32>
            %sub3A_561 = arith.subf %select_n3A_560, %max3A_491 : vector<16xf32>
            %exp3A_562 = math.exp %sub3A_561 : vector<16xf32>
            %sub3A_563 = arith.subf %max3A_491, %get3A_366 : vector<16xf32>
            %abs3A_564 = math.absf %get3A_366 : vector<16xf32>
            %max3A_565 = arith.maximumf %abs3A_564, %max3A_491 : vector<16xf32>
            %div3A_566 = arith.divf %sub3A_563, %max3A_565 : vector<16xf32>
            %gt3A_567 = vector.broadcast %scan3A_225 : f32 to vector<16xf32>
            %gt3A_568 = arith.cmpf ogt, %div3A_566, %gt3A_567 : vector<16xf32>
            %select_n3A_569 = arith.select %gt3A_568, %add3A_383, %select_n3A_484 : vector<16xi1>, vector<16xf32>
            %sub3A_570 = arith.subf %select_n3A_569, %max3A_491 : vector<16xf32>
            %exp3A_571 = math.exp %sub3A_570 : vector<16xf32>
            %add3A_572 = arith.addf %exp3A_508, %exp3A_517 : vector<16xf32>
            %add3A_573 = arith.addf %add3A_572, %exp3A_526 : vector<16xf32>
            %add3A_574 = arith.addf %add3A_573, %exp3A_535 : vector<16xf32>
            %add3A_575 = arith.addf %add3A_574, %exp3A_544 : vector<16xf32>
            %add3A_576 = arith.addf %add3A_575, %exp3A_553 : vector<16xf32>
            %add3A_577 = arith.addf %add3A_576, %exp3A_562 : vector<16xf32>
            %add3A_578 = arith.addf %add3A_577, %exp3A_571 : vector<16xf32>
            %select_n3A_579 = arith.select %ge3A_492, %exp3A_508, %broadcast_in_dim3A_381 : vector<16xi1>, vector<16xf32>
            %add3A_580 = arith.addf %broadcast_in_dim3A_381, %select_n3A_579 : vector<16xf32>
            %select_n3A_581 = arith.select %ge3A_493, %exp3A_517, %broadcast_in_dim3A_381 : vector<16xi1>, vector<16xf32>
            %add3A_582 = arith.addf %add3A_580, %select_n3A_581 : vector<16xf32>
            %select_n3A_583 = arith.select %ge3A_494, %exp3A_526, %broadcast_in_dim3A_381 : vector<16xi1>, vector<16xf32>
            %add3A_584 = arith.addf %add3A_582, %select_n3A_583 : vector<16xf32>
            %select_n3A_585 = arith.select %ge3A_495, %exp3A_535, %broadcast_in_dim3A_381 : vector<16xi1>, vector<16xf32>
            %add3A_586 = arith.addf %add3A_584, %select_n3A_585 : vector<16xf32>
            %select_n3A_587 = arith.select %ge3A_496, %exp3A_544, %broadcast_in_dim3A_381 : vector<16xi1>, vector<16xf32>
            %add3A_588 = arith.addf %add3A_586, %select_n3A_587 : vector<16xf32>
            %select_n3A_589 = arith.select %ge3A_497, %exp3A_553, %broadcast_in_dim3A_381 : vector<16xi1>, vector<16xf32>
            %add3A_590 = arith.addf %add3A_588, %select_n3A_589 : vector<16xf32>
            %select_n3A_591 = arith.select %ge3A_498, %exp3A_562, %broadcast_in_dim3A_381 : vector<16xi1>, vector<16xf32>
            %add3A_592 = arith.addf %add3A_590, %select_n3A_591 : vector<16xf32>
            %select_n3A_593 = arith.select %ge3A_499, %exp3A_571, %broadcast_in_dim3A_381 : vector<16xi1>, vector<16xf32>
            %add3A_594 = arith.addf %add3A_592, %select_n3A_593 : vector<16xf32>
            %div3A_595 = arith.divf %add3A_594, %add3A_578 : vector<16xf32>
            %select_n3A_596 = arith.select %ge3A_373, %div3A_476, %broadcast_in_dim3A_381 : vector<16xi1>, vector<16xf32>
            %select_n3A_597 = arith.select %ge3A_492, %div3A_595, %broadcast_in_dim3A_381 : vector<16xi1>, vector<16xf32>
            %add3A_598 = arith.addf %select_n3A_596, %select_n3A_597 : vector<16xf32>
            %swap3A = arith.constant 0 : i32
            %swap3A_599 = arith.constant 0 : i32
            %swap3A_600 = arith.constant 0 : i32
            %swap3A_601 = tpu.memref_slice %run_scoped3A_18[%rem3A_224, %swap3A_599, %swap3A_600] : memref<2x8x128xf32, #tpu.memory_space<vmem>> -> memref<1x8x128xf32, #tpu.memory_space<vmem>>
            %swap3A_602 = tpu.memref_squeeze %swap3A_601 : memref<1x8x128xf32, #tpu.memory_space<vmem>> -> memref<8x128xf32, #tpu.memory_space<vmem>>
            %swap3A_603 = arith.index_cast %swap3A : i32 to index
            %swap3A_604 = arith.index_cast %add3A_295 : i32 to index
            %swap3A_605 = tpu.vector_load %swap3A_602[%swap3A_603, %swap3A_604] {strides = array<i32>} : memref<8x128xf32, #tpu.memory_space<vmem>>, vector<1x16xf32>,
            %swap3A_606 = vector.shape_cast %swap3A_605 : vector<1x16xf32> to vector<16xf32>
            %swap3A_607 = vector.shape_cast %add3A_598 : vector<16xf32> to vector<1x16xf32>
            tpu.vector_store %swap3A_602[%swap3A_603, %swap3A_604], %swap3A_607 {strides = array<i32>} : memref<8x128xf32, #tpu.memory_space<vmem>>, vector<1x16xf32>,
            %select_n3A_608 = arith.select %ge3A_374, %div3A_476, %broadcast_in_dim3A_381 : vector<16xi1>, vector<16xf32>
            %select_n3A_609 = arith.select %ge3A_493, %div3A_595, %broadcast_in_dim3A_381 : vector<16xi1>, vector<16xf32>
            %add3A_610 = arith.addf %select_n3A_608, %select_n3A_609 : vector<16xf32>
            %swap3A_611 = arith.constant 1 : i32
            %swap3A_612 = arith.constant 0 : i32
            %swap3A_613 = arith.constant 0 : i32
            %swap3A_614 = tpu.memref_slice %run_scoped3A_18[%rem3A_224, %swap3A_612, %swap3A_613] : memref<2x8x128xf32, #tpu.memory_space<vmem>> -> memref<1x8x128xf32, #tpu.memory_space<vmem>>
            %swap3A_615 = tpu.memref_squeeze %swap3A_614 : memref<1x8x128xf32, #tpu.memory_space<vmem>> -> memref<8x128xf32, #tpu.memory_space<vmem>>
            %swap3A_616 = arith.index_cast %swap3A_611 : i32 to index
            %swap3A_617 = arith.index_cast %add3A_295 : i32 to index
            %swap3A_618 = tpu.vector_load %swap3A_615[%swap3A_616, %swap3A_617] {strides = array<i32>} : memref<8x128xf32, #tpu.memory_space<vmem>>, vector<1x16xf32>,
            %swap3A_619 = vector.shape_cast %swap3A_618 : vector<1x16xf32> to vector<16xf32>
            %swap3A_620 = vector.shape_cast %add3A_610 : vector<16xf32> to vector<1x16xf32>
            tpu.vector_store %swap3A_615[%swap3A_616, %swap3A_617], %swap3A_620 {strides = array<i32>} : memref<8x128xf32, #tpu.memory_space<vmem>>, vector<1x16xf32>,
            %select_n3A_621 = arith.select %ge3A_375, %div3A_476, %broadcast_in_dim3A_381 : vector<16xi1>, vector<16xf32>
            %select_n3A_622 = arith.select %ge3A_494, %div3A_595, %broadcast_in_dim3A_381 : vector<16xi1>, vector<16xf32>
            %add3A_623 = arith.addf %select_n3A_621, %select_n3A_622 : vector<16xf32>
            %swap3A_624 = arith.constant 2 : i32
            %swap3A_625 = arith.constant 0 : i32
            %swap3A_626 = arith.constant 0 : i32
            %swap3A_627 = tpu.memref_slice %run_scoped3A_18[%rem3A_224, %swap3A_625, %swap3A_626] : memref<2x8x128xf32, #tpu.memory_space<vmem>> -> memref<1x8x128xf32, #tpu.memory_space<vmem>>
            %swap3A_628 = tpu.memref_squeeze %swap3A_627 : memref<1x8x128xf32, #tpu.memory_space<vmem>> -> memref<8x128xf32, #tpu.memory_space<vmem>>
            %swap3A_629 = arith.index_cast %swap3A_624 : i32 to index
            %swap3A_630 = arith.index_cast %add3A_295 : i32 to index
            %swap3A_631 = tpu.vector_load %swap3A_628[%swap3A_629, %swap3A_630] {strides = array<i32>} : memref<8x128xf32, #tpu.memory_space<vmem>>, vector<1x16xf32>,
            %swap3A_632 = vector.shape_cast %swap3A_631 : vector<1x16xf32> to vector<16xf32>
            %swap3A_633 = vector.shape_cast %add3A_623 : vector<16xf32> to vector<1x16xf32>
            tpu.vector_store %swap3A_628[%swap3A_629, %swap3A_630], %swap3A_633 {strides = array<i32>} : memref<8x128xf32, #tpu.memory_space<vmem>>, vector<1x16xf32>,
            %select_n3A_634 = arith.select %ge3A_376, %div3A_476, %broadcast_in_dim3A_381 : vector<16xi1>, vector<16xf32>
            %select_n3A_635 = arith.select %ge3A_495, %div3A_595, %broadcast_in_dim3A_381 : vector<16xi1>, vector<16xf32>
            %add3A_636 = arith.addf %select_n3A_634, %select_n3A_635 : vector<16xf32>
            %swap3A_637 = arith.constant 3 : i32
            %swap3A_638 = arith.constant 0 : i32
            %swap3A_639 = arith.constant 0 : i32
            %swap3A_640 = tpu.memref_slice %run_scoped3A_18[%rem3A_224, %swap3A_638, %swap3A_639] : memref<2x8x128xf32, #tpu.memory_space<vmem>> -> memref<1x8x128xf32, #tpu.memory_space<vmem>>
            %swap3A_641 = tpu.memref_squeeze %swap3A_640 : memref<1x8x128xf32, #tpu.memory_space<vmem>> -> memref<8x128xf32, #tpu.memory_space<vmem>>
            %swap3A_642 = arith.index_cast %swap3A_637 : i32 to index
            %swap3A_643 = arith.index_cast %add3A_295 : i32 to index
            %swap3A_644 = tpu.vector_load %swap3A_641[%swap3A_642, %swap3A_643] {strides = array<i32>} : memref<8x128xf32, #tpu.memory_space<vmem>>, vector<1x16xf32>,
            %swap3A_645 = vector.shape_cast %swap3A_644 : vector<1x16xf32> to vector<16xf32>
            %swap3A_646 = vector.shape_cast %add3A_636 : vector<16xf32> to vector<1x16xf32>
            tpu.vector_store %swap3A_641[%swap3A_642, %swap3A_643], %swap3A_646 {strides = array<i32>} : memref<8x128xf32, #tpu.memory_space<vmem>>, vector<1x16xf32>,
            %select_n3A_647 = arith.select %ge3A_377, %div3A_476, %broadcast_in_dim3A_381 : vector<16xi1>, vector<16xf32>
            %select_n3A_648 = arith.select %ge3A_496, %div3A_595, %broadcast_in_dim3A_381 : vector<16xi1>, vector<16xf32>
            %add3A_649 = arith.addf %select_n3A_647, %select_n3A_648 : vector<16xf32>
            %swap3A_650 = arith.constant 4 : i32
            %swap3A_651 = arith.constant 0 : i32
            %swap3A_652 = arith.constant 0 : i32
            %swap3A_653 = tpu.memref_slice %run_scoped3A_18[%rem3A_224, %swap3A_651, %swap3A_652] : memref<2x8x128xf32, #tpu.memory_space<vmem>> -> memref<1x8x128xf32, #tpu.memory_space<vmem>>
            %swap3A_654 = tpu.memref_squeeze %swap3A_653 : memref<1x8x128xf32, #tpu.memory_space<vmem>> -> memref<8x128xf32, #tpu.memory_space<vmem>>
            %swap3A_655 = arith.index_cast %swap3A_650 : i32 to index
            %swap3A_656 = arith.index_cast %add3A_295 : i32 to index
            %swap3A_657 = tpu.vector_load %swap3A_654[%swap3A_655, %swap3A_656] {strides = array<i32>} : memref<8x128xf32, #tpu.memory_space<vmem>>, vector<1x16xf32>,
            %swap3A_658 = vector.shape_cast %swap3A_657 : vector<1x16xf32> to vector<16xf32>
            %swap3A_659 = vector.shape_cast %add3A_649 : vector<16xf32> to vector<1x16xf32>
            tpu.vector_store %swap3A_654[%swap3A_655, %swap3A_656], %swap3A_659 {strides = array<i32>} : memref<8x128xf32, #tpu.memory_space<vmem>>, vector<1x16xf32>,
            %select_n3A_660 = arith.select %ge3A_378, %div3A_476, %broadcast_in_dim3A_381 : vector<16xi1>, vector<16xf32>
            %select_n3A_661 = arith.select %ge3A_497, %div3A_595, %broadcast_in_dim3A_381 : vector<16xi1>, vector<16xf32>
            %add3A_662 = arith.addf %select_n3A_660, %select_n3A_661 : vector<16xf32>
            %swap3A_663 = arith.constant 5 : i32
            %swap3A_664 = arith.constant 0 : i32
            %swap3A_665 = arith.constant 0 : i32
            %swap3A_666 = tpu.memref_slice %run_scoped3A_18[%rem3A_224, %swap3A_664, %swap3A_665] : memref<2x8x128xf32, #tpu.memory_space<vmem>> -> memref<1x8x128xf32, #tpu.memory_space<vmem>>
            %swap3A_667 = tpu.memref_squeeze %swap3A_666 : memref<1x8x128xf32, #tpu.memory_space<vmem>> -> memref<8x128xf32, #tpu.memory_space<vmem>>
            %swap3A_668 = arith.index_cast %swap3A_663 : i32 to index
            %swap3A_669 = arith.index_cast %add3A_295 : i32 to index
            %swap3A_670 = tpu.vector_load %swap3A_667[%swap3A_668, %swap3A_669] {strides = array<i32>} : memref<8x128xf32, #tpu.memory_space<vmem>>, vector<1x16xf32>,
            %swap3A_671 = vector.shape_cast %swap3A_670 : vector<1x16xf32> to vector<16xf32>
            %swap3A_672 = vector.shape_cast %add3A_662 : vector<16xf32> to vector<1x16xf32>
            tpu.vector_store %swap3A_667[%swap3A_668, %swap3A_669], %swap3A_672 {strides = array<i32>} : memref<8x128xf32, #tpu.memory_space<vmem>>, vector<1x16xf32>,
            %select_n3A_673 = arith.select %ge3A_379, %div3A_476, %broadcast_in_dim3A_381 : vector<16xi1>, vector<16xf32>
            %select_n3A_674 = arith.select %ge3A_498, %div3A_595, %broadcast_in_dim3A_381 : vector<16xi1>, vector<16xf32>
            %add3A_675 = arith.addf %select_n3A_673, %select_n3A_674 : vector<16xf32>
            %swap3A_676 = arith.constant 6 : i32
            %swap3A_677 = arith.constant 0 : i32
            %swap3A_678 = arith.constant 0 : i32
            %swap3A_679 = tpu.memref_slice %run_scoped3A_18[%rem3A_224, %swap3A_677, %swap3A_678] : memref<2x8x128xf32, #tpu.memory_space<vmem>> -> memref<1x8x128xf32, #tpu.memory_space<vmem>>
            %swap3A_680 = tpu.memref_squeeze %swap3A_679 : memref<1x8x128xf32, #tpu.memory_space<vmem>> -> memref<8x128xf32, #tpu.memory_space<vmem>>
            %swap3A_681 = arith.index_cast %swap3A_676 : i32 to index
            %swap3A_682 = arith.index_cast %add3A_295 : i32 to index
            %swap3A_683 = tpu.vector_load %swap3A_680[%swap3A_681, %swap3A_682] {strides = array<i32>} : memref<8x128xf32, #tpu.memory_space<vmem>>, vector<1x16xf32>,
            %swap3A_684 = vector.shape_cast %swap3A_683 : vector<1x16xf32> to vector<16xf32>
            %swap3A_685 = vector.shape_cast %add3A_675 : vector<16xf32> to vector<1x16xf32>
            tpu.vector_store %swap3A_680[%swap3A_681, %swap3A_682], %swap3A_685 {strides = array<i32>} : memref<8x128xf32, #tpu.memory_space<vmem>>, vector<1x16xf32>,
            %select_n3A_686 = arith.select %ge3A_380, %div3A_476, %broadcast_in_dim3A_381 : vector<16xi1>, vector<16xf32>
            %select_n3A_687 = arith.select %ge3A_499, %div3A_595, %broadcast_in_dim3A_381 : vector<16xi1>, vector<16xf32>
            %add3A_688 = arith.addf %select_n3A_686, %select_n3A_687 : vector<16xf32>
            %swap3A_689 = arith.constant 7 : i32
            %swap3A_690 = arith.constant 0 : i32
            %swap3A_691 = arith.constant 0 : i32
            %swap3A_692 = tpu.memref_slice %run_scoped3A_18[%rem3A_224, %swap3A_690, %swap3A_691] : memref<2x8x128xf32, #tpu.memory_space<vmem>> -> memref<1x8x128xf32, #tpu.memory_space<vmem>>
            %swap3A_693 = tpu.memref_squeeze %swap3A_692 : memref<1x8x128xf32, #tpu.memory_space<vmem>> -> memref<8x128xf32, #tpu.memory_space<vmem>>
            %swap3A_694 = arith.index_cast %swap3A_689 : i32 to index
            %swap3A_695 = arith.index_cast %add3A_295 : i32 to index
            %swap3A_696 = tpu.vector_load %swap3A_693[%swap3A_694, %swap3A_695] {strides = array<i32>} : memref<8x128xf32, #tpu.memory_space<vmem>>, vector<1x16xf32>,
            %swap3A_697 = vector.shape_cast %swap3A_696 : vector<1x16xf32> to vector<16xf32>
            %swap3A_698 = vector.shape_cast %add3A_688 : vector<16xf32> to vector<1x16xf32>
            tpu.vector_store %swap3A_693[%swap3A_694, %swap3A_695], %swap3A_698 {strides = array<i32>} : memref<8x128xf32, #tpu.memory_space<vmem>>, vector<1x16xf32>,
          }
          %scan3A_230 = arith.constant 8 : i32
          "tpu.trace_stop"() : () -> ()
          %ne3A_231 = arith.cmpi ne, %add3A_155, %add3A_173 : i32
          %or3A_232 = arith.constant false
          %or3A_233 = arith.ori %or3A_232, %ne3A_231 : i1
          %or3A_234 = arith.ori %or3A_233, %eq3A_154 : i1
          %convert_element_type3A_235 = arith.extui %or3A_234 : i1 to i32
          %cond3A_236 = arith.constant 0 : i32
          %cond3A_237 = arith.cmpi ne, %convert_element_type3A_235, %cond3A_236 : i32
          scf.if %cond3A_237 {
          } else {
          }
          %and3A_238 = arith.constant false
          %and3A_239 = arith.andi %or3A_234, %and3A_238 : i1
          %ne3A_240 = arith.cmpi ne, %add3A_155, %add3A_173 : i32
          %or3A_241 = arith.constant false
          %or3A_242 = arith.ori %or3A_241, %ne3A_240 : i1
          %or3A_243 = arith.ori %or3A_242, %eq3A_154 : i1
          %convert_element_type3A_244 = arith.extui %or3A_243 : i1 to i32
          %cond3A_245 = arith.constant 0 : i32
          %cond3A_246 = arith.cmpi ne, %convert_element_type3A_244, %cond3A_245 : i32
          scf.if %cond3A_246 {
            "tpu.trace_start"() <{level = 10 : i32, message = "ep_copy_out"}> : () -> ()
            %rem3A_291 = arith.constant 2 : i32
            %rem3A_292 = arith.remui %while3A_145, %rem3A_291 : i32
            %mul3A_293 = arith.constant 128 : i32
            %mul3A_294 = arith.muli %mul3A_293, %add3A_155 : i32
            %dma_start3A_295 = arith.constant 0 : i32
            %dma_start3A_296 = arith.constant 0 : i32
            %dma_start3A_297 = tpu.memref_slice %run_scoped3A_18[%rem3A_292, %dma_start3A_295, %dma_start3A_296] : memref<2x8x128xf32, #tpu.memory_space<vmem>> -> memref<1x8x128xf32, #tpu.memory_space<vmem>>
            %dma_start3A_298 = tpu.memref_squeeze %dma_start3A_297 : memref<1x8x128xf32, #tpu.memory_space<vmem>> -> memref<8x128xf32, #tpu.memory_space<vmem>>
            %dma_start3A_299 = arith.constant 0 : i32
            %dma_start3A_300 = tpu.memref_slice %arg3[%dma_start3A_299, %mul3A_294] : memref<8x256xf32, #tpu.memory_space<hbm>> -> memref<8x128xf32, #tpu.memory_space<hbm>>
            %dma_start3A_301 = tpu.memref_slice %run_scoped3A_19[%rem3A_292] : memref<2x!tpu.dma_semaphore, #tpu.memory_space<semaphore_mem>> -> memref<1x!tpu.dma_semaphore, #tpu.memory_space<semaphore_mem>>
            %dma_start3A_302 = tpu.memref_squeeze %dma_start3A_301 : memref<1x!tpu.dma_semaphore, #tpu.memory_space<semaphore_mem>> -> memref<!tpu.dma_semaphore, #tpu.memory_space<semaphore_mem>>
            %dma_start3A_303 = arith.constant 0 : i32
            %dma_start3A_304 = tpu.memref_slice %arg3[%dma_start3A_303, %mul3A_294] : memref<8x256xf32, #tpu.memory_space<hbm>> -> memref<8x128xf32, #tpu.memory_space<hbm>>
            %dma_start3A_305 = arith.constant 0 : i32
            %dma_start3A_306 = arith.constant 0 : i32
            %dma_start3A_307 = tpu.memref_slice %run_scoped3A_18[%rem3A_292, %dma_start3A_305, %dma_start3A_306] : memref<2x8x128xf32, #tpu.memory_space<vmem>> -> memref<1x8x128xf32, #tpu.memory_space<vmem>>
            %dma_start3A_308 = tpu.memref_squeeze %dma_start3A_307 : memref<1x8x128xf32, #tpu.memory_space<vmem>> -> memref<8x128xf32, #tpu.memory_space<vmem>>
            tpu.enqueue_dma source(%dma_start3A_308 : memref<8x128xf32, #tpu.memory_space<vmem>>) target(%dma_start3A_304 : memref<8x128xf32, #tpu.memory_space<hbm>>) target_semaphore(%dma_start3A_302 : memref<!tpu.dma_semaphore, #tpu.memory_space<semaphore_mem>>)
            "tpu.trace_stop"() : () -> ()
          } else {
          }
          %and3A_247 = arith.constant true
          %and3A_248 = arith.andi %or3A_243, %and3A_247 : i1
          %add3A_249 = arith.constant 1 : i32
          %add3A_250 = arith.addi %while3A_145, %add3A_249 : i32
          %select_n3A_251 = arith.select %and3A_248, %add3A_250, %while3A_145 : i32
          %ne3A_252 = arith.cmpi ne, %add3A_155, %add3A_165 : i32
          %or3A_253 = arith.constant false
          %or3A_254 = arith.ori %or3A_253, %ne3A_252 : i1
          %not3A_255 = arith.constant true
          %not3A_256 = arith.xori %eq3A_151, %not3A_255 : i1
          %and3A_257 = arith.andi %or3A_254, %not3A_256 : i1
          %convert_element_type3A_258 = arith.extui %and3A_257 : i1 to i32
          %cond3A_259 = arith.constant 0 : i32
          %cond3A_260 = arith.cmpi ne, %convert_element_type3A_258, %cond3A_259 : i32
          scf.if %cond3A_260 {
          } else {
          }
          %and3A_261 = arith.constant false
          %and3A_262 = arith.andi %and3A_257, %and3A_261 : i1
          %ne3A_263 = arith.cmpi ne, %add3A_155, %add3A_165 : i32
          %or3A_264 = arith.constant false
          %or3A_265 = arith.ori %or3A_264, %ne3A_263 : i1
          %not3A_266 = arith.constant true
          %not3A_267 = arith.xori %eq3A_151, %not3A_266 : i1
          %and3A_268 = arith.andi %or3A_265, %not3A_267 : i1
          %convert_element_type3A_269 = arith.extui %and3A_268 : i1 to i32
          %cond3A_270 = arith.constant 0 : i32
          %cond3A_271 = arith.cmpi ne, %convert_element_type3A_269, %cond3A_270 : i32
          scf.if %cond3A_271 {
            "tpu.trace_start"() <{level = 10 : i32, message = "ep_wait_out"}> : () -> ()
            %rem3A_291 = arith.constant 2 : i32
            %rem3A_292 = arith.remui %while3A_146, %rem3A_291 : i32
            %mul3A_293 = arith.constant 128 : i32
            %mul3A_294 = arith.muli %mul3A_293, %add3A_165 : i32
            %dma_wait3A = arith.constant 0 : i32
            %dma_wait3A_295 = arith.constant 0 : i32
            %dma_wait3A_296 = tpu.memref_slice %run_scoped3A_18[%rem3A_292, %dma_wait3A, %dma_wait3A_295] : memref<2x8x128xf32, #tpu.memory_space<vmem>> -> memref<1x8x128xf32, #tpu.memory_space<vmem>>
            %dma_wait3A_297 = tpu.memref_squeeze %dma_wait3A_296 : memref<1x8x128xf32, #tpu.memory_space<vmem>> -> memref<8x128xf32, #tpu.memory_space<vmem>>
            %dma_wait3A_298 = arith.constant 0 : i32
            %dma_wait3A_299 = tpu.memref_slice %arg3[%dma_wait3A_298, %mul3A_294] : memref<8x256xf32, #tpu.memory_space<hbm>> -> memref<8x128xf32, #tpu.memory_space<hbm>>
            %dma_wait3A_300 = tpu.memref_slice %run_scoped3A_19[%rem3A_292] : memref<2x!tpu.dma_semaphore, #tpu.memory_space<semaphore_mem>> -> memref<1x!tpu.dma_semaphore, #tpu.memory_space<semaphore_mem>>
            %dma_wait3A_301 = tpu.memref_squeeze %dma_wait3A_300 : memref<1x!tpu.dma_semaphore, #tpu.memory_space<semaphore_mem>> -> memref<!tpu.dma_semaphore, #tpu.memory_space<semaphore_mem>>
            %dma_wait3A_302 = arith.constant 0 : i32
            %dma_wait3A_303 = tpu.memref_slice %arg3[%dma_wait3A_302, %mul3A_294] : memref<8x256xf32, #tpu.memory_space<hbm>> -> memref<8x128xf32, #tpu.memory_space<hbm>>
            %dma_wait3A_304 = arith.constant 0 : i32
            %dma_wait3A_305 = arith.constant 0 : i32
            %dma_wait3A_306 = tpu.memref_slice %run_scoped3A_18[%rem3A_292, %dma_wait3A_304, %dma_wait3A_305] : memref<2x8x128xf32, #tpu.memory_space<vmem>> -> memref<1x8x128xf32, #tpu.memory_space<vmem>>
            %dma_wait3A_307 = tpu.memref_squeeze %dma_wait3A_306 : memref<1x8x128xf32, #tpu.memory_space<vmem>> -> memref<8x128xf32, #tpu.memory_space<vmem>>
            tpu.wait_dma2 semaphore(%dma_wait3A_301 : memref<!tpu.dma_semaphore, #tpu.memory_space<semaphore_mem>>) src(%dma_wait3A_307 : memref<8x128xf32, #tpu.memory_space<vmem>>) dst(%dma_wait3A_303 : memref<8x128xf32, #tpu.memory_space<hbm>>)
            "tpu.trace_stop"() : () -> ()
          } else {
          }
          %and3A_272 = arith.constant true
          %and3A_273 = arith.andi %and3A_268, %and3A_272 : i1
          %add3A_274 = arith.constant 1 : i32
          %add3A_275 = arith.addi %while3A_146, %add3A_274 : i32
          %select_n3A_276 = arith.select %and3A_273, %add3A_275, %while3A_146 : i32
          %ne3A_277 = arith.cmpi ne, %add3A_155, %add3A_173 : i32
          %or3A_278 = arith.constant false
          %or3A_279 = arith.ori %or3A_278, %ne3A_277 : i1
          %or3A_280 = arith.ori %or3A_279, %eq3A_154 : i1
          %add3A_281 = arith.constant 1 : i32
          %add3A_282 = arith.addi %while3A_144, %add3A_281 : i32
          %select_n3A_283 = arith.select %or3A_280, %add3A_282, %while3A_144 : i32
          %add3A_284 = arith.constant 1 : i32
          %add3A_285 = arith.addi %while3A_147, %add3A_284 : i32
          %select_n3A_286 = arith.constant true
          %select_n3A_287 = arith.select %select_n3A_286, %add3A_285, %while3A_147 : i32
          %eq3A_288 = arith.cmpi eq, %select_n3A_287, %select_n3A : i32
          %select_n3A_289 = arith.constant 0 : i32
          %select_n3A_290 = arith.select %eq3A_288, %select_n3A_289, %select_n3A_287 : i32
          scf.yield %select_n3A_195, %select_n3A_283, %select_n3A_251, %select_n3A_276, %select_n3A_290 : i32, i32, i32, i32, i32
        }
        %sub3A_91 = arith.constant 1 : i32
        %sub3A_92 = arith.subi %while3A_90#4, %sub3A_91 : i32
        %select_n3A_93 = arith.constant true
        %select_n3A_94 = arith.select %select_n3A_93, %sub3A_92, %while3A_90#4 : i32
        %eq3A_95 = arith.constant -1 : i32
        %eq3A_96 = arith.cmpi eq, %select_n3A_94, %eq3A_95 : i32
        %sub3A_97 = arith.constant 1 : i32
        %sub3A_98 = arith.subi %select_n3A, %sub3A_97 : i32
        %select_n3A_99 = arith.select %eq3A_96, %sub3A_98, %select_n3A_94 : i32
        %sub3A_100 = arith.constant 1 : i32
        %sub3A_101 = arith.subi %mul3A_16, %sub3A_100 : i32
        %mul3A_102 = arith.constant 1 : i32
        %mul3A_103 = arith.muli %mul3A_102, %select_n3A : i32
        %eq3A_104 = arith.constant 0 : i32
        %eq3A_105 = arith.cmpi eq, %sub3A_101, %eq3A_104 : i32
        %sub3A_106 = arith.constant 1 : i32
        %sub3A_107 = arith.subi %mul3A_103, %sub3A_106 : i32
        %eq3A_108 = arith.cmpi eq, %sub3A_101, %sub3A_107 : i32
        %add3A_109 = arith.addi %select_n3A_99, %select_n3A_14 : i32
        %sub3A_110 = arith.constant 1 : i32
        %sub3A_111 = arith.subi %select_n3A_99, %sub3A_110 : i32
        %select_n3A_112 = arith.constant true
        %select_n3A_113 = arith.select %select_n3A_112, %sub3A_111, %select_n3A_99 : i32
        %eq3A_114 = arith.constant -1 : i32
        %eq3A_115 = arith.cmpi eq, %select_n3A_113, %eq3A_114 : i32
        %sub3A_116 = arith.constant 1 : i32
        %sub3A_117 = arith.subi %select_n3A, %sub3A_116 : i32
        %select_n3A_118 = arith.select %eq3A_115, %sub3A_117, %select_n3A_113 : i32
        %add3A_119 = arith.addi %select_n3A_118, %select_n3A_14 : i32
        %add3A_120 = arith.constant 1 : i32
        %add3A_121 = arith.addi %select_n3A_99, %add3A_120 : i32
        %select_n3A_122 = arith.constant true
        %select_n3A_123 = arith.select %select_n3A_122, %add3A_121, %select_n3A_99 : i32
        %eq3A_124 = arith.cmpi eq, %select_n3A_123, %select_n3A : i32
        %select_n3A_125 = arith.constant 0 : i32
        %select_n3A_126 = arith.select %eq3A_124, %select_n3A_125, %select_n3A_123 : i32
        %add3A_127 = arith.addi %select_n3A_126, %select_n3A_14 : i32
        %add3A_128 = arith.constant 1 : i32
        %add3A_129 = arith.addi %select_n3A_126, %add3A_128 : i32
        %select_n3A_130 = arith.constant true
        %select_n3A_131 = arith.select %select_n3A_130, %add3A_129, %select_n3A_126 : i32
        %eq3A_132 = arith.cmpi eq, %select_n3A_131, %select_n3A : i32
        %select_n3A_133 = arith.constant 0 : i32
        %select_n3A_134 = arith.select %eq3A_132, %select_n3A_133, %select_n3A_131 : i32
        %add3A_135 = arith.addi %select_n3A_134, %select_n3A_14 : i32
        %convert_element_type3A_136 = arith.extui %eq3A_108 : i1 to i32
        %cond3A_137 = arith.constant 0 : i32
        %cond3A_138 = arith.cmpi ne, %convert_element_type3A_136, %cond3A_137 : i32
        scf.if %cond3A_138 {
        } else {
        }
        %convert_element_type3A_139 = arith.extui %eq3A_108 : i1 to i32
        %cond3A_140 = arith.constant 0 : i32
        %cond3A_141 = arith.cmpi ne, %convert_element_type3A_139, %cond3A_140 : i32
        scf.if %cond3A_141 {
          "tpu.trace_start"() <{level = 10 : i32, message = "ep_finalize"}> : () -> ()
          %rem3A_142 = arith.constant 2 : i32
          %rem3A_143 = arith.remui %while3A_90#3, %rem3A_142 : i32
          %mul3A_144 = arith.constant 128 : i32
          %mul3A_145 = arith.muli %mul3A_144, %add3A_109 : i32
          %dma_wait3A = arith.constant 0 : i32
          %dma_wait3A_146 = arith.constant 0 : i32
          %dma_wait3A_147 = tpu.memref_slice %run_scoped3A_18[%rem3A_143, %dma_wait3A, %dma_wait3A_146] : memref<2x8x128xf32, #tpu.memory_space<vmem>> -> memref<1x8x128xf32, #tpu.memory_space<vmem>>
          %dma_wait3A_148 = tpu.memref_squeeze %dma_wait3A_147 : memref<1x8x128xf32, #tpu.memory_space<vmem>> -> memref<8x128xf32, #tpu.memory_space<vmem>>
          %dma_wait3A_149 = arith.constant 0 : i32
          %dma_wait3A_150 = tpu.memref_slice %arg3[%dma_wait3A_149, %mul3A_145] : memref<8x256xf32, #tpu.memory_space<hbm>> -> memref<8x128xf32, #tpu.memory_space<hbm>>
          %dma_wait3A_151 = tpu.memref_slice %run_scoped3A_19[%rem3A_143] : memref<2x!tpu.dma_semaphore, #tpu.memory_space<semaphore_mem>> -> memref<1x!tpu.dma_semaphore, #tpu.memory_space<semaphore_mem>>
          %dma_wait3A_152 = tpu.memref_squeeze %dma_wait3A_151 : memref<1x!tpu.dma_semaphore, #tpu.memory_space<semaphore_mem>> -> memref<!tpu.dma_semaphore, #tpu.memory_space<semaphore_mem>>
          %dma_wait3A_153 = arith.constant 0 : i32
          %dma_wait3A_154 = tpu.memref_slice %arg3[%dma_wait3A_153, %mul3A_145] : memref<8x256xf32, #tpu.memory_space<hbm>> -> memref<8x128xf32, #tpu.memory_space<hbm>>
          %dma_wait3A_155 = arith.constant 0 : i32
          %dma_wait3A_156 = arith.constant 0 : i32
          %dma_wait3A_157 = tpu.memref_slice %run_scoped3A_18[%rem3A_143, %dma_wait3A_155, %dma_wait3A_156] : memref<2x8x128xf32, #tpu.memory_space<vmem>> -> memref<1x8x128xf32, #tpu.memory_space<vmem>>
          %dma_wait3A_158 = tpu.memref_squeeze %dma_wait3A_157 : memref<1x8x128xf32, #tpu.memory_space<vmem>> -> memref<8x128xf32, #tpu.memory_space<vmem>>
          tpu.wait_dma2 semaphore(%dma_wait3A_152 : memref<!tpu.dma_semaphore, #tpu.memory_space<semaphore_mem>>) src(%dma_wait3A_158 : memref<8x128xf32, #tpu.memory_space<vmem>>) dst(%dma_wait3A_154 : memref<8x128xf32, #tpu.memory_space<hbm>>)
          "tpu.trace_stop"() : () -> ()
        } else {
        }
      } else {
      }
      tpu.yield
    }) : () -> ()
    return
  }
}

module attributes {stable_mosaic.version = 14 : i64} {
  func.func @_router_tc_kernel(%arg0: memref<256x2048xf32, #tpu.memory_space<vmem>>, %arg1: memref<8x2048xf32, #tpu.memory_space<vmem>>, %arg2: memref<256x8xf32, #tpu.memory_space<vmem>>, %arg3: memref<8x256xf32, #tpu.memory_space<vmem>>) attributes {dimension_semantics = [], scalar_prefetch = 0 : i64, scratch_operands = 0 : i64, tpu.core_type = #tpu.core_type<tc>} {
    %get3A = arith.constant 0 : index
    %get3A_0 = arith.constant 0 : index
    %get3A_1 = vector.load %arg0[%get3A, %get3A_0] : memref<256x2048xf32, #tpu.memory_space<vmem>>, vector<256x2048xf32>
    %convert_element_type3A = arith.truncf %get3A_1 : vector<256x2048xf32> to vector<256x2048xbf16>
    %get3A_2 = arith.constant 0 : index
    %get3A_3 = arith.constant 0 : index
    %get3A_4 = vector.load %arg1[%get3A_2, %get3A_3] : memref<8x2048xf32, #tpu.memory_space<vmem>>, vector<8x2048xf32>
    %convert_element_type3A_5 = arith.truncf %get3A_4 : vector<8x2048xf32> to vector<8x2048xbf16>
    %dot_general3A = arith.constant dense<0.000000e+00> : vector<256x8xf32>
    %dot_general3A_6 = tpu.matmul %convert_element_type3A, %convert_element_type3A_5, %dot_general3A {dimension_numbers = #tpu.dot_dimension_numbers<[1], [1], [0], [0], [0, 0, 1, 0], [], []>, transpose_lhs_hint = false} : vector<256x2048xbf16>, vector<8x2048xbf16>, vector<256x8xf32> -> vector<256x8xf32>
    %swap3A = arith.constant 0 : index
    %swap3A_7 = arith.constant 0 : index
    %swap3A_8 = vector.load %arg2[%swap3A, %swap3A_7] : memref<256x8xf32, #tpu.memory_space<vmem>>, vector<256x8xf32>
    tpu.vector_store %arg2[%swap3A, %swap3A_7], %dot_general3A_6 {strides = array<i32>} : memref<256x8xf32, #tpu.memory_space<vmem>>, vector<256x8xf32>,
    %transpose3A = tpu.transpose %dot_general3A_6, [1, 0] : vector<256x8xf32> -> vector<8x256xf32>
    %swap3A_9 = arith.constant 0 : index
    %swap3A_10 = arith.constant 0 : index
    %swap3A_11 = vector.load %arg3[%swap3A_9, %swap3A_10] : memref<8x256xf32, #tpu.memory_space<vmem>>, vector<8x256xf32>
    tpu.vector_store %arg3[%swap3A_9, %swap3A_10], %transpose3A {strides = array<i32>} : memref<8x256xf32, #tpu.memory_space<vmem>>, vector<8x256xf32>,
    return
  }
}

module attributes {stable_mosaic.version = 14 : i64} {
  func.func @_moe_kernel(%arg0: i32, %arg1: i32, %arg2: memref<256x2048xf32, #tpu.memory_space<vmem>>, %arg3: memref<8x256xf32, #tpu.memory_space<vmem>>, %arg4: memref<1x256x2048xf32, #tpu.memory_space<vmem>>, %arg5: memref<1x256x2048xf32, #tpu.memory_space<vmem>>, %arg6: memref<1x256x2048xf32, #tpu.memory_space<vmem>>, %arg7: memref<1x256x2048xf32, #tpu.memory_space<vmem>>, %arg8: memref<1x1024x512xf32, #tpu.memory_space<vmem>>, %arg9: memref<1x1024x512xf32, #tpu.memory_space<vmem>>, %arg10: memref<256x2048xf32, #tpu.memory_space<vmem>>, %arg11: memref<256x8xf32, #tpu.memory_space<vmem>>, %arg12: memref<256x2048xbf16, #tpu.memory_space<vmem>>) attributes {dimension_semantics = [#tpu.dimension_semantics<arbitrary>, #tpu.dimension_semantics<arbitrary>], iteration_bounds = array<i64: 8, 8>, scalar_prefetch = 0 : i64, scratch_operands = 2 : i64, tpu.core_type = #tpu.core_type<tc>, window_params = [{pipeline_mode = #tpu.pipeline_mode<synchronous>, transform_indices = @transform_0, window_bounds = array<i64: 256, 2048>}, {pipeline_mode = #tpu.pipeline_mode<synchronous>, transform_indices = @transform_1, window_bounds = array<i64: 8, 256>}, {transform_indices = @transform_2, window_bounds = array<i64: 1, 256, 2048>}, {transform_indices = @transform_3, window_bounds = array<i64: 1, 256, 2048>}, {transform_indices = @transform_4, window_bounds = array<i64: 1, 256, 2048>}, {transform_indices = @transform_5, window_bounds = array<i64: 1, 256, 2048>}, {transform_indices = @transform_6, window_bounds = array<i64: 1, 1024, 512>}, {transform_indices = @transform_7, window_bounds = array<i64: 1, 1024, 512>}, {pipeline_mode = #tpu.pipeline_mode<synchronous>, transform_indices = @transform_8, window_bounds = array<i64: 256, 2048>}]} {
    %eq3A = arith.constant 0 : i32
    %eq3A_0 = arith.cmpi eq, %arg0, %eq3A : i32
    %eq3A_1 = arith.constant 0 : i32
    %eq3A_2 = arith.cmpi eq, %arg1, %eq3A_1 : i32
    %and3A = arith.andi %eq3A_0, %eq3A_2 : i1
    %convert_element_type3A = arith.extui %and3A : i1 to i32
    %cond3A = arith.constant 0 : i32
    %cond3A_3 = arith.cmpi ne, %convert_element_type3A, %cond3A : i32
    scf.if %cond3A_3 {
      %get3A_96 = arith.constant 0 : index
      %get3A_97 = arith.constant 0 : index
      %get3A_98 = vector.load %arg2[%get3A_96, %get3A_97] : memref<256x2048xf32, #tpu.memory_space<vmem>>, vector<256x2048xf32>
      %convert_element_type3A_99 = arith.truncf %get3A_98 : vector<256x2048xf32> to vector<256x2048xbf16>
      %swap3A = arith.constant 0 : index
      %swap3A_100 = arith.constant 0 : index
      %swap3A_101 = vector.load %arg12[%swap3A, %swap3A_100] : memref<256x2048xbf16, #tpu.memory_space<vmem>>, vector<256x2048xbf16>
      tpu.vector_store %arg12[%swap3A, %swap3A_100], %convert_element_type3A_99 {strides = array<i32>} : memref<256x2048xbf16, #tpu.memory_space<vmem>>, vector<256x2048xbf16>,
      %get3A_102 = arith.constant 0 : index
      %get3A_103 = arith.constant 0 : index
      %get3A_104 = vector.load %arg3[%get3A_102, %get3A_103] : memref<8x256xf32, #tpu.memory_space<vmem>>, vector<8x256xf32>
      %transpose3A = tpu.transpose %get3A_104, [1, 0] : vector<8x256xf32> -> vector<256x8xf32>
      %swap3A_105 = arith.constant 0 : index
      %swap3A_106 = arith.constant 0 : index
      %swap3A_107 = vector.load %arg11[%swap3A_105, %swap3A_106] : memref<256x8xf32, #tpu.memory_space<vmem>>, vector<256x8xf32>
      tpu.vector_store %arg11[%swap3A_105, %swap3A_106], %transpose3A {strides = array<i32>} : memref<256x8xf32, #tpu.memory_space<vmem>>, vector<256x8xf32>,
    } else {
    }
    %get3A = arith.constant 0 : index
    %get3A_4 = arith.constant 0 : index
    %get3A_5 = vector.load %arg12[%get3A, %get3A_4] : memref<256x2048xbf16, #tpu.memory_space<vmem>>, vector<256x2048xbf16>
    %iota3A = tpu.iota {dimensions = array<i32: 1>} : vector<1x8xi32>
    %eq3A_6 = vector.broadcast %arg0 : i32 to vector<1x8xi32>
    %eq3A_7 = arith.cmpi eq, %iota3A, %eq3A_6 : vector<1x8xi32>
    %get3A_8 = arith.constant 0 : index
    %get3A_9 = arith.constant 0 : index
    %get3A_10 = vector.load %arg11[%get3A_8, %get3A_9] : memref<256x8xf32, #tpu.memory_space<vmem>>, vector<256x8xf32>
    %jit3A = arith.constant 0.000000e+00 : f32
    %broadcast_in_dim3A = vector.shape_cast %eq3A_7 : vector<1x8xi1> to vector<1x8xi1>
    %broadcast_in_dim3A_11 = vector.broadcast %broadcast_in_dim3A : vector<1x8xi1> to vector<256x8xi1>
    %broadcast_in_dim3A_12 = vector.broadcast %jit3A : f32 to vector<256x8xf32>
    %select_n3A = arith.select %broadcast_in_dim3A_11, %get3A_10, %broadcast_in_dim3A_12 : vector<256x8xi1>, vector<256x8xf32>
    %reduce_sum3A = arith.constant dense<0.000000e+00> : vector<256xf32>
    %reduce_sum3A_13 = vector.multi_reduction <add>, %select_n3A, %reduce_sum3A [1] : vector<256x8xf32> to vector<256xf32>
    %broadcast_in_dim3A_14 = vector.shape_cast %reduce_sum3A_13 : vector<256xf32> to vector<256x1xf32>
    %get3A_15 = arith.constant 0 : index
    %get3A_16 = arith.constant 0 : index
    %get3A_17 = arith.constant 0 : index
    %get3A_18 = vector.load %arg4[%get3A_15, %get3A_16, %get3A_17] : memref<1x256x2048xf32, #tpu.memory_space<vmem>>, vector<1x256x2048xf32>
    %get3A_19 = vector.shape_cast %get3A_18 : vector<1x256x2048xf32> to vector<256x2048xf32>
    %convert_element_type3A_20 = arith.truncf %get3A_19 : vector<256x2048xf32> to vector<256x2048xbf16>
    %dot_general3A = arith.constant dense<0.000000e+00> : vector<256x256xf32>
    %dot_general3A_21 = tpu.matmul %get3A_5, %convert_element_type3A_20, %dot_general3A {dimension_numbers = #tpu.dot_dimension_numbers<[1], [1], [0], [0], [0, 0, 1, 0], [], []>, transpose_lhs_hint = false} : vector<256x2048xbf16>, vector<256x2048xbf16>, vector<256x256xf32> -> vector<256x256xf32>
    %get3A_22 = arith.constant 0 : index
    %get3A_23 = arith.constant 0 : index
    %get3A_24 = arith.constant 0 : index
    %get3A_25 = vector.load %arg6[%get3A_22, %get3A_23, %get3A_24] : memref<1x256x2048xf32, #tpu.memory_space<vmem>>, vector<1x256x2048xf32>
    %get3A_26 = vector.shape_cast %get3A_25 : vector<1x256x2048xf32> to vector<256x2048xf32>
    %convert_element_type3A_27 = arith.truncf %get3A_26 : vector<256x2048xf32> to vector<256x2048xbf16>
    %dot_general3A_28 = arith.constant dense<0.000000e+00> : vector<256x256xf32>
    %dot_general3A_29 = tpu.matmul %get3A_5, %convert_element_type3A_27, %dot_general3A_28 {dimension_numbers = #tpu.dot_dimension_numbers<[1], [1], [0], [0], [0, 0, 1, 0], [], []>, transpose_lhs_hint = false} : vector<256x2048xbf16>, vector<256x2048xbf16>, vector<256x256xf32> -> vector<256x256xf32>
    %logistic3A = arith.negf %dot_general3A_21 : vector<256x256xf32>
    %logistic3A_30 = math.exp %logistic3A : vector<256x256xf32>
    %logistic3A_31 = arith.constant 1.000000e+00 : f32
    %logistic3A_32 = vector.broadcast %logistic3A_31 : f32 to vector<256x256xf32>
    %logistic3A_33 = arith.addf %logistic3A_32, %logistic3A_30 : vector<256x256xf32>
    %logistic3A_34 = arith.divf %logistic3A_32, %logistic3A_33 : vector<256x256xf32>
    %mul3A = arith.mulf %dot_general3A_21, %logistic3A_34 : vector<256x256xf32>
    %mul3A_35 = arith.mulf %mul3A, %dot_general3A_29 : vector<256x256xf32>
    %mul3A_36 = vector.broadcast %broadcast_in_dim3A_14 : vector<256x1xf32> to vector<256x256xf32>
    %mul3A_37 = arith.mulf %mul3A_35, %mul3A_36 : vector<256x256xf32>
    %get3A_38 = arith.constant 0 : index
    %get3A_39 = arith.constant 0 : index
    %get3A_40 = arith.constant 0 : index
    %get3A_41 = vector.load %arg5[%get3A_38, %get3A_39, %get3A_40] : memref<1x256x2048xf32, #tpu.memory_space<vmem>>, vector<1x256x2048xf32>
    %get3A_42 = vector.shape_cast %get3A_41 : vector<1x256x2048xf32> to vector<256x2048xf32>
    %convert_element_type3A_43 = arith.truncf %get3A_42 : vector<256x2048xf32> to vector<256x2048xbf16>
    %dot_general3A_44 = arith.constant dense<0.000000e+00> : vector<256x256xf32>
    %dot_general3A_45 = tpu.matmul %get3A_5, %convert_element_type3A_43, %dot_general3A_44 {dimension_numbers = #tpu.dot_dimension_numbers<[1], [1], [0], [0], [0, 0, 1, 0], [], []>, transpose_lhs_hint = false} : vector<256x2048xbf16>, vector<256x2048xbf16>, vector<256x256xf32> -> vector<256x256xf32>
    %get3A_46 = arith.constant 0 : index
    %get3A_47 = arith.constant 0 : index
    %get3A_48 = arith.constant 0 : index
    %get3A_49 = vector.load %arg7[%get3A_46, %get3A_47, %get3A_48] : memref<1x256x2048xf32, #tpu.memory_space<vmem>>, vector<1x256x2048xf32>
    %get3A_50 = vector.shape_cast %get3A_49 : vector<1x256x2048xf32> to vector<256x2048xf32>
    %convert_element_type3A_51 = arith.truncf %get3A_50 : vector<256x2048xf32> to vector<256x2048xbf16>
    %dot_general3A_52 = arith.constant dense<0.000000e+00> : vector<256x256xf32>
    %dot_general3A_53 = tpu.matmul %get3A_5, %convert_element_type3A_51, %dot_general3A_52 {dimension_numbers = #tpu.dot_dimension_numbers<[1], [1], [0], [0], [0, 0, 1, 0], [], []>, transpose_lhs_hint = false} : vector<256x2048xbf16>, vector<256x2048xbf16>, vector<256x256xf32> -> vector<256x256xf32>
    %logistic3A_54 = arith.negf %dot_general3A_45 : vector<256x256xf32>
    %logistic3A_55 = math.exp %logistic3A_54 : vector<256x256xf32>
    %logistic3A_56 = arith.constant 1.000000e+00 : f32
    %logistic3A_57 = vector.broadcast %logistic3A_56 : f32 to vector<256x256xf32>
    %logistic3A_58 = arith.addf %logistic3A_57, %logistic3A_55 : vector<256x256xf32>
    %logistic3A_59 = arith.divf %logistic3A_57, %logistic3A_58 : vector<256x256xf32>
    %mul3A_60 = arith.mulf %dot_general3A_45, %logistic3A_59 : vector<256x256xf32>
    %mul3A_61 = arith.mulf %mul3A_60, %dot_general3A_53 : vector<256x256xf32>
    %mul3A_62 = vector.broadcast %broadcast_in_dim3A_14 : vector<256x1xf32> to vector<256x256xf32>
    %mul3A_63 = arith.mulf %mul3A_61, %mul3A_62 : vector<256x256xf32>
    %concatenate3A = tpu.concatenate %mul3A_37, %mul3A_63 in 1 : vector<256x256xf32>, vector<256x256xf32> -> vector<256x512xf32>
    %convert_element_type3A_64 = arith.truncf %concatenate3A : vector<256x512xf32> to vector<256x512xbf16>
    %get3A_65 = arith.constant 0 : index
    %get3A_66 = arith.constant 0 : index
    %get3A_67 = arith.constant 0 : index
    %get3A_68 = vector.load %arg8[%get3A_65, %get3A_66, %get3A_67] : memref<1x1024x512xf32, #tpu.memory_space<vmem>>, vector<1x1024x512xf32>
    %get3A_69 = vector.shape_cast %get3A_68 : vector<1x1024x512xf32> to vector<1024x512xf32>
    %convert_element_type3A_70 = arith.truncf %get3A_69 : vector<1024x512xf32> to vector<1024x512xbf16>
    %dot_general3A_71 = arith.constant dense<0.000000e+00> : vector<256x1024xf32>
    %dot_general3A_72 = tpu.matmul %convert_element_type3A_64, %convert_element_type3A_70, %dot_general3A_71 {dimension_numbers = #tpu.dot_dimension_numbers<[1], [1], [0], [0], [0, 0, 1, 0], [], []>, transpose_lhs_hint = false} : vector<256x512xbf16>, vector<1024x512xbf16>, vector<256x1024xf32> -> vector<256x1024xf32>
    %get3A_73 = arith.constant 0 : index
    %get3A_74 = arith.constant 0 : index
    %get3A_75 = arith.constant 0 : index
    %get3A_76 = vector.load %arg9[%get3A_73, %get3A_74, %get3A_75] : memref<1x1024x512xf32, #tpu.memory_space<vmem>>, vector<1x1024x512xf32>
    %get3A_77 = vector.shape_cast %get3A_76 : vector<1x1024x512xf32> to vector<1024x512xf32>
    %convert_element_type3A_78 = arith.truncf %get3A_77 : vector<1024x512xf32> to vector<1024x512xbf16>
    %dot_general3A_79 = arith.constant dense<0.000000e+00> : vector<256x1024xf32>
    %dot_general3A_80 = tpu.matmul %convert_element_type3A_64, %convert_element_type3A_78, %dot_general3A_79 {dimension_numbers = #tpu.dot_dimension_numbers<[1], [1], [0], [0], [0, 0, 1, 0], [], []>, transpose_lhs_hint = false} : vector<256x512xbf16>, vector<1024x512xbf16>, vector<256x1024xf32> -> vector<256x1024xf32>
    %concatenate3A_81 = tpu.concatenate %dot_general3A_72, %dot_general3A_80 in 1 : vector<256x1024xf32>, vector<256x1024xf32> -> vector<256x2048xf32>
    %eq3A_82 = arith.constant 0 : i32
    %eq3A_83 = arith.cmpi eq, %arg0, %eq3A_82 : i32
    %eq3A_84 = arith.constant 0 : i32
    %eq3A_85 = arith.cmpi eq, %arg1, %eq3A_84 : i32
    %and3A_86 = arith.andi %eq3A_83, %eq3A_85 : i1
    %convert_element_type3A_87 = arith.extui %and3A_86 : i1 to i32
    %cond3A_88 = arith.constant 0 : i32
    %cond3A_89 = arith.cmpi ne, %convert_element_type3A_87, %cond3A_88 : i32
    scf.if %cond3A_89 {
      %swap3A = arith.constant 0 : index
      %swap3A_96 = arith.constant 0 : index
      %swap3A_97 = vector.load %arg10[%swap3A, %swap3A_96] : memref<256x2048xf32, #tpu.memory_space<vmem>>, vector<256x2048xf32>
      tpu.vector_store %arg10[%swap3A, %swap3A_96], %concatenate3A_81 {strides = array<i32>} : memref<256x2048xf32, #tpu.memory_space<vmem>>, vector<256x2048xf32>,
    } else {
    }
    %ne3A = arith.constant 0 : i32
    %ne3A_90 = arith.cmpi ne, %arg0, %ne3A : i32
    %ne3A_91 = arith.constant 0 : i32
    %ne3A_92 = arith.cmpi ne, %arg1, %ne3A_91 : i32
    %or3A = arith.ori %ne3A_90, %ne3A_92 : i1
    %convert_element_type3A_93 = arith.extui %or3A : i1 to i32
    %cond3A_94 = arith.constant 0 : i32
    %cond3A_95 = arith.cmpi ne, %convert_element_type3A_93, %cond3A_94 : i32
    scf.if %cond3A_95 {
      %get3A_96 = arith.constant 0 : index
      %get3A_97 = arith.constant 0 : index
      %get3A_98 = vector.load %arg10[%get3A_96, %get3A_97] : memref<256x2048xf32, #tpu.memory_space<vmem>>, vector<256x2048xf32>
      %add3A = arith.addf %get3A_98, %concatenate3A_81 : vector<256x2048xf32>
      %swap3A = arith.constant 0 : index
      %swap3A_99 = arith.constant 0 : index
      %swap3A_100 = vector.load %arg10[%swap3A, %swap3A_99] : memref<256x2048xf32, #tpu.memory_space<vmem>>, vector<256x2048xf32>
      tpu.vector_store %arg10[%swap3A, %swap3A_99], %add3A {strides = array<i32>} : memref<256x2048xf32, #tpu.memory_space<vmem>>, vector<256x2048xf32>,
    } else {
    }
    return
  }
  func.func @transform_0(%arg0: i32, %arg1: i32) -> (i32, i32) {
    %c0_i32 = arith.constant 0 : i32
    %c0_i32_0 = arith.constant 0 : i32
    %c0_i32_1 = arith.constant 0 : i32
    return %c0_i32, %c0_i32_0 : i32, i32
  }
  func.func @transform_1(%arg0: i32, %arg1: i32) -> (i32, i32) {
    %c0_i32 = arith.constant 0 : i32
    %c0_i32_0 = arith.constant 0 : i32
    %c0_i32_1 = arith.constant 0 : i32
    return %c0_i32, %c0_i32_0 : i32, i32
  }
  func.func @transform_2(%arg0: i32, %arg1: i32) -> (i32, i32, i32) {
    %mul3A = arith.constant 2 : i32
    %mul3A_0 = arith.muli %mul3A, %arg1 : i32
    %c0_i32 = arith.constant 0 : i32
    %c0_i32_1 = arith.constant 0 : i32
    return %arg0, %mul3A_0, %c0_i32 : i32, i32, i32
  }
  func.func @transform_3(%arg0: i32, %arg1: i32) -> (i32, i32, i32) {
    %mul3A = arith.constant 2 : i32
    %mul3A_0 = arith.muli %mul3A, %arg1 : i32
    %add3A = arith.constant 1 : i32
    %add3A_1 = arith.addi %mul3A_0, %add3A : i32
    %c0_i32 = arith.constant 0 : i32
    %c0_i32_2 = arith.constant 0 : i32
    return %arg0, %add3A_1, %c0_i32 : i32, i32, i32
  }
  func.func @transform_4(%arg0: i32, %arg1: i32) -> (i32, i32, i32) {
    %mul3A = arith.constant 2 : i32
    %mul3A_0 = arith.muli %mul3A, %arg1 : i32
    %add3A = arith.constant 16 : i32
    %add3A_1 = arith.addi %add3A, %mul3A_0 : i32
    %c0_i32 = arith.constant 0 : i32
    %c0_i32_2 = arith.constant 0 : i32
    return %arg0, %add3A_1, %c0_i32 : i32, i32, i32
  }
  func.func @transform_5(%arg0: i32, %arg1: i32) -> (i32, i32, i32) {
    %mul3A = arith.constant 2 : i32
    %mul3A_0 = arith.muli %mul3A, %arg1 : i32
    %add3A = arith.constant 16 : i32
    %add3A_1 = arith.addi %add3A, %mul3A_0 : i32
    %add3A_2 = arith.constant 1 : i32
    %add3A_3 = arith.addi %add3A_1, %add3A_2 : i32
    %c0_i32 = arith.constant 0 : i32
    %c0_i32_4 = arith.constant 0 : i32
    return %arg0, %add3A_3, %c0_i32 : i32, i32, i32
  }
  func.func @transform_6(%arg0: i32, %arg1: i32) -> (i32, i32, i32) {
    %c0_i32 = arith.constant 0 : i32
    %c0_i32_0 = arith.constant 0 : i32
    return %arg0, %c0_i32, %arg1 : i32, i32, i32
  }
  func.func @transform_7(%arg0: i32, %arg1: i32) -> (i32, i32, i32) {
    %c1_i32 = arith.constant 1 : i32
    %c0_i32 = arith.constant 0 : i32
    return %arg0, %c1_i32, %arg1 : i32, i32, i32
  }
  func.func @transform_8(%arg0: i32, %arg1: i32) -> (i32, i32) {
    %c0_i32 = arith.constant 0 : i32
    %c0_i32_0 = arith.constant 0 : i32
    %c0_i32_1 = arith.constant 0 : i32
    return %c0_i32, %c0_i32_0 : i32, i32
  }
}

</mosaic_0001>

<sc_bundles>
// kernel: kernel.5.cloned.1.call-start
scs
__scs_entry_jumppad:
0x0: {  	(pc) =	sbr.rel $0x88, $3  }
0x1: {  	(tag) =	ssettag $0x0;
	lr =	simm.s32 $0x1  }
0x2: {  	[smem:$0x3F9D] =	sst lr;
	_ =	strace $0xD0000000  }
0x3: {  	_ = 	snop  }
0x4: {  	_ = 	snop  }
0x5: {  	_ = 	snop  }
0x6: {  	_ = 	snop  }
0x7: {  	_ = 	snop  }
__scs_overlays_trampoline_lowered:
0x8: {  	[smem:$0x3FAC] =	sst s0  }
0x9: {  	[smem:$0x3FAD] =	sst s1  }
0xa: {  	[smem:$0x3FAE] =	sst s2  }
0xb: {  	[smem:$0x3FAF] =	sst s3  }
0xc: {  	[smem:$0x3FB0] =	sst s4  }
0xd: {  	[smem:$0x3FB1] =	sst s5  }
0xe: {  	[smem:$0x3FB2] =	sst s6  }
0xf: {  	[smem:$0x3FB3] =	sst s7  }
0x10: {  	[smem:$0x3FB4] =	sst s8  }
0x11: {  	[smem:$0x3FB5] =	sst s9;
	s0 =	simm.s32 @!p0 $0x0  }
0x12: {  	s1 =	sld [smem:$0x3F9B];
	s0 =	simm.s32 @p0 $0x1  }
0x13: {  	[smem:$0x3FB6] =	sst s0;
	s0 =	simm.s32 @!p1 $0x0  }
0x14: {  	s2 =	sld [smem:$0x3F9A];
	s0 =	simm.s32 @p1 $0x1  }
0x15: {  	[smem:$0x3FB7] =	sst s0;
	s0 =	simm.s32 @!p2 $0x0  }
0x16: {  	s3 =	sld [smem:$0x3FDB];
	s0 =	simm.s32 @p2 $0x1  }
0x17: {  	s4 =	simm.s32 $0x1BF5;
	[smem:$0x3FB9] =	sst s0  }
0x18: {  	s0 =	sld [smem:$0x3F9C];
	_ =	swait.ge [sflag:s4], $0x0  }
0x19: {  	s7 =	sld [smem:$0x3F9D]  }
0x1a: {  	s8 =	sadd.s32 $0xFFFFE003, lr  }
0x1b: {  	s9 =	sadd.s32 $0xFFFFFEF7, lr;
	s5 =	simm.s32 $0xFFFFFFFF;
	p2 =	slt.u32 s8, $0xFFFFF086  }
0x1c: {  	p1 =	slt.u32 s9, $0xF7A;
	s5 =	simm.s32 @!p2 $0x0  }
0x1d: {  	s5 =	simm.s32 @p1 $0x1;
	p0 =	seq.s32 s7, s2  }
0x1e: {  	s7 =	smul.u32 @!p0 $0xF7A, s2;
	p2 =	seq.s32 @!p0 s5, $0x0  }
0x1f: {  	s9 =	smul.u32 $0xF7A, s1;
	s8 =	simm.s32 @!p0 $0x1BF5;
	p2 =	por !p2, p0  }
0x20: {  	[sflag:s8] =	ssyncset.s32 @!p0 $0xFFFFF086;
	s6 =	sadd.s32 @!p0 s3, s7;
	s7 =	simm.s32 @!p0 $0x108  }
0x21: {  	s3 =	sadd.s32 s3, s9;
	s6 =	sadd.s32 @!p0 $0x88, s6;
	s7 =	simm.s32 @p2 $0x1082  }
0x22: {  	[simem:s7], [sflag:s8] =	dma.local @!p0 [hbm:s6], $0xF7A  }
0x23: {  	s9 =	sor.u32 $0xD0000000, s2;
	s6 =	simm.s32 $0x108;
	_ =	swait.ge @!p0 [sflag:s8], $0x0  }
0x24: {  	s3 =	sadd.s32 $0x88, s3;
	s6 =	simm.s32 @!p1 $0x1082;
	[sflag:s4] =	ssyncset.s32 $0xFFFFF086  }
0x25: {  	[simem:s6], [sflag:s4] =	dma.local [hbm:s3], $0xF7A  }
0x26: {  	[smem:$0x3F9D] =	sst s1;
	(tag) =	ssettag s2;
	_ =	strace s9  }
0x27: {  	s1 =	sld [smem:$0x3FAD]  }
0x28: {  	s2 =	sld [smem:$0x3FAE]  }
0x29: {  	s4 =	sld [smem:$0x3FB0]  }
0x2a: {  	p0 =	seq.s32 s5, $0x0;
	s5 =	sld [smem:$0x3FB1]  }
0x2b: {  	s6 =	sld [smem:$0x3FB2]  }
0x2c: {  	s7 =	sld [smem:$0x3FB3]  }
0x2d: {  	s3 =	simm.s32 $0x108;
	s8 =	sld [smem:$0x3FB4]  }
0x2e: {  	s3 =	simm.s32 @!p0 $0x1082;
	s9 =	sld [smem:$0x3FB5]  }
0x2f: {  	lr =	sadd.s32 s0, s3;
	s0 =	sld [smem:$0x3FAC]  }
0x30: {  	s3 =	sld [smem:$0x3FAF]  }
0x31: {  	[smem:$0x3FB8] =	sst s10  }
0x32: {  	s10 =	sld [smem:$0x3FB6];
	_ =	sdelay $0x3  }
0x33: {  	p0 =	seq.s32 s10, $0x1;
	s10 =	sld [smem:$0x3FB8];
	_ =	sdelay $0x3  }
0x34: {  	[smem:$0x3FB8] =	sst s10  }
0x35: {  	s10 =	sld [smem:$0x3FB7];
	_ =	sdelay $0x3  }
0x36: {  	p1 =	seq.s32 s10, $0x1;
	s10 =	sld [smem:$0x3FB8];
	_ =	sdelay $0x3  }
0x37: {  	[smem:$0x3FB8] =	sst s10  }
0x38: {  	s10 =	sld [smem:$0x3FB9]  }
0x39: {  	_ = 	snop;
	(pc) =	sbr.ind lr, $3  }
0x3a: {  	_ = 	snop  }
0x3b: {  	_ = 	snop  }
0x3c: {  	p2 =	seq.s32 s10, $0x1;
	s10 =	sld [smem:$0x3FB8]  }
0x3d: {  	_ =	shalt  }
0x3e: {  	_ =	shalt  }
0x3f: {  	_ =	shalt  }
0x40: {  	_ =	shalt  }
0x41: {  	_ =	shalt  }
0x42: {  	_ =	shalt  }
0x43: {  	_ =	shalt  }
0x44: {  	_ =	shalt  }
0x45: {  	_ =	shalt  }
0x46: {  	_ =	shalt  }
0x47: {  	_ =	shalt  }
0x48: {  	_ =	shalt  }
0x49: {  	_ =	shalt  }
0x4a: {  	_ =	shalt  }
0x4b: {  	_ =	shalt  }
0x4c: {  	_ =	shalt  }
0x4d: {  	_ =	shalt  }
0x4e: {  	_ =	shalt  }
0x4f: {  	_ =	shalt  }
0x50: {  	_ =	shalt  }
0x51: {  	_ =	shalt  }
0x52: {  	_ =	shalt  }
0x53: {  	_ =	shalt  }
0x54: {  	_ =	shalt  }
0x55: {  	_ =	shalt  }
0x56: {  	_ =	shalt  }
0x57: {  	_ =	shalt  }
0x58: {  	_ =	shalt  }
0x59: {  	_ =	shalt  }
0x5a: {  	_ =	shalt  }
0x5b: {  	_ =	shalt  }
0x5c: {  	_ =	shalt  }
0x5d: {  	_ =	shalt  }
0x5e: {  	_ =	shalt  }
0x5f: {  	_ =	shalt  }
0x60: {  	_ =	shalt  }
0x61: {  	_ =	shalt  }
0x62: {  	_ =	shalt  }
0x63: {  	_ =	shalt  }
0x64: {  	_ =	shalt  }
0x65: {  	_ =	shalt  }
0x66: {  	_ =	shalt  }
0x67: {  	_ =	shalt  }
0x68: {  	_ =	shalt  }
0x69: {  	_ =	shalt  }
0x6a: {  	_ =	shalt  }
0x6b: {  	_ =	shalt  }
0x6c: {  	_ =	shalt  }
0x6d: {  	_ =	shalt  }
0x6e: {  	_ =	shalt  }
0x6f: {  	_ =	shalt  }
0x70: {  	_ =	shalt  }
0x71: {  	_ =	shalt  }
0x72: {  	_ =	shalt  }
0x73: {  	_ =	shalt  }
0x74: {  	_ =	shalt  }
0x75: {  	_ =	shalt  }
0x76: {  	_ =	shalt  }
0x77: {  	_ =	shalt  }
0x78: {  	_ =	shalt  }
0x79: {  	_ =	shalt  }
0x7a: {  	_ =	shalt  }
0x7b: {  	_ =	shalt  }
0x7c: {  	_ =	shalt  }
0x7d: {  	_ =	shalt  }
0x7e: {  	_ =	shalt  }
0x7f: {  	_ =	shalt  }
0x80: {  	_ =	shalt  }
0x81: {  	_ =	shalt  }
0x82: {  	_ =	shalt  }
0x83: {  	_ =	shalt  }
0x84: {  	_ =	shalt  }
0x85: {  	_ =	shalt  }
0x86: {  	_ =	shalt  }
0x87: {  	_ =	shalt  }
.Lfunc_end0:
.L_simem_size_0:
called_computation_lowered:
.L_overlay_start_0:
0x88: {  	s2 =	sld [smem:$0x3FD9]  }
0x89: {  	s3 =	sld [smem:$0x3FFE];
	_ =	sdelay $0x1  }
0x8a: {  	s1 =	srdreg.scid  }
0x8b: {  	s0 =	sand.u32 $0x1, s1  }
0x8c: {  	s14 =	sshll.u32 s0, $0xA;
	s2 =	sadd.s32 s3, s2  }
0x8d: {  	s2 =	sadd.s32 s2, s14  }
0x8e: {  	[smem:$0x3FC4] =	sst s2  }
0x8f: {  	_ = 	snop  }
0x90: {  	s2 =	sld [smem:$0x3FD0];
	_ =	sdelay $0x2  }
0x91: {  	s15 =	simm.s32 $0xA;
	s4 =	simm.s32 $0x10  }
0x92: {  	[smem:s4], [sflag:s15] =	dma.local [hbm:s2], $0x1  }
0x93: {  	_ =	swait.eq [sflag:s15], $0x1  }
0x94: {  	[sflag:s15] =	ssyncset.done $0x0  }
0x95: {  	[sflag:s15] =	ssyncadd.s32 $0xFFFFFFFF  }
0x96: {  	s16 =	sld [smem:$0x10];
	(tm) =	ssettm $0x1  }
0x97: {  	s17 =	sld [smem:$0x3FFB];
	_ =	sdelay $0x3  }
0x98: {  	_ =	strace s17  }
0x99: {  	s3 =	sld [smem:$0x3FFC];
	_ =	sdelay $0x3  }
0x9a: {  	_ =	strace s3  }
0x9b: {  	s3 =	sld [smem:$0x3FFD];
	_ =	sdelay $0x3  }
0x9c: {  	_ =	strace s3  }
0x9d: {  	_ =	strace $0x8FFFFFFF  }
0x9e: {  	s18 =	sld [smem:$0x3FDB];
	_ =	sdelay $0x1  }
0x9f: {  	s19 =	simm.s32 $_scs_section_size  }
0xa0: {  	s5 =	simm.s32 $_size__tile_overlayer_lowered;
	s6 =	simm.s32 $_tile_overlayer_lowered  }
0xa1: {  	s22 =	simm.s32 $0x1BFF;
	s21 =	sshll.u32 s6, $0x1;
	s3 =	sadd.s32 s19, s18  }
0xa2: {  	s7 =	simm.s32 $0x0;
	s20 =	sshll.u32 s5, $0x1;
	s5 =	sadd.s32 s21, s3  }
0xa3: {  	[timem:s7], [sflag:s22] =	dma.local [hbm:s5], s20  }
0xa4: {  	_ =	swait.ge [sflag:s22], s20  }
0xa5: {  	s4 =	ssub.s32 $0x0, s20;
	[sflag:s22] =	ssyncset.done $0x0  }
0xa6: {  	[sflag:s22] =	ssyncadd.s32 s4;
	_ =	sdelay $0x1  }
0xa7: {  	s23 =	simm.s32 $0x1B8B  }
0xa8: {  	_ =	swait.ge [sflag:s23], $0x1  }
0xa9: {  	[sflag:s23] =	ssyncset.done $0x0  }
0xaa: {  	s25 =	simm.s32 $0x1B8E;
	s24 =	sld [smem:$0x3FFE];
	[sflag:s23] =	ssyncadd.s32 $0xFFFFFFFF  }
0xab: {  	s26 =	simm.s32 $execute0_lowered;
	[smem:$0x3FD2] =	sst s25  }
0xac: {  	s5 =	sshll.u32 s26, $0x1;
	_ =	strace $0x80000046;
	[dreg:$0x1] =	wrdreg $0xFFFFFFFF  }
0xad: {  	s28 =	simm.s32 $_size_execute0_lowered;
	s3 =	sadd.s32 s3, s5;
	[dreg:$0x0] =	wrdreg $0x0  }
0xae: {  	s5 =	sshll.u32 s28, $0x1;
	[dreg:$0x2] =	wrdreg s3  }
0xaf: {  	[dreg:$0x3] =	wrdreg s5  }
0xb0: {  	[dreg:$0x4] =	wrdreg $0xC0  }
0xb1: {  	_ =	task [dreg:s7], $0x5FFFF  }
0xb2: {  	[dreg:$0x1] =	wrdreg $0xFFFFFFFF  }
0xb3: {  	[dreg:$0x0] =	wrdreg $0x60  }
0xb4: {  	[dreg:$0x2] =	wrdreg s16  }
0xb5: {  	[dreg:$0x3] =	wrdreg s24  }
0xb6: {  	[dreg:$0x4] =	wrdreg $0x9  }
0xb7: {  	_ =	task.clear_ibuf [dreg:s7], $0x5FFFF;
	_ =	strace $0x90000046  }
0xb8: {  	s29 =	simm.s32 $0x9;
	_ =	strace $0x8000004F  }
0xb9: {  	_ =	swait.ge [sflag:s29], $0x1  }
0xba: {  	[sflag:s29] =	ssyncadd.s32 $0xFFFFFFFF  }
0xbb: {  	_ =	strace $0x9000004F  }
0xbc: {  	_ =	sfence  }
0xbd: {  	s30 =	sld [smem:$0x0];
	_ =	sdelay $0x2  }
0xbe: {  	s31 =	sshll.u32 s1, $0xD;
	s1 =	sshrl.u32 s1, $0x2  }
0xbf: {  	s3 =	sand.u32 $0x4000, s31;
	s1 =	sadd.s32 s1, s30  }
0xc0: {  	s0 =	sor.u32 s3, s0;
	s1 =	sshll.u32 s1, $0x11  }
0xc1: {  	s0 =	sor.u32 s1, s0  }
0xc2: {  	s0 =	sadd.s32 $0x8F2B, s0  }
0xc3: {  	[sflag:s0] =	ssyncadd.remote.s32 $0x1  }
0xc4: {  	_ =	sfence.sel $0xFFFF  }
0xc5: {  	[dreg:$0x0] =	wrdreg $0xFFFFFFFF;
	(pc) =	sbr.abs _section_cstart, $3  }
0xc6: {  	[dreg:$0x1] =	wrdreg $0xFFFFFFFF  }
0xc7: {  	_ =	task.clear_ibuf [dreg:s7], $0x2FFFF;
	_ =	strace $0x9FFFFFFF  }
0xc8: {  	(tm) =	ssettm $0x7FFFFFFF  }
0xc9: {  	_ =	shalt  }
tec
execute0_lowered:
.L_overlay_start_1:
0x0: {  	(tag) =	ssettag $0x1  }
0x1: {  	s0 =	srdreg.scid  }
0x2: {  	s5 =	sand.u32 $0x1, s0  }
0x3: {  	s1 =	stileid.u32;
	s6 =	sshll.u32 s5, $0x4  }
0x4: {  	s6 =	sor.u32 s1, s6  }
0x5: {  	p0 =	sgt.u32 s6, $0x1  }
.Ltmp0:
0x6: {  	_ = 	snop;
	(pc) =	sbr.rel @p0 .LBB2_5-.Ltmp0, $4  }
0x7: {  	s3 =	rddreg [dreg:$0x0]  }
0x8: {  	s4 =	rddreg [dreg:$0x1];
	s2 =	simm.s32 $0x0  }
0x9: {  	[smem:$0x7FF] =	sst s2  }
0xa: {  	s0 =	rddreg [dreg:$0x2];
	_ =	strace $0x80000047  }
0xb: {  	s5 =	ssub.s32 $0x2, s5;
	s6 =	sshll.u32 s1, $0x7;
	s8 =	simm.s32 $0x3  }
0xc: {  	s9 =	simm.s32 $0x0;
	s7 =	sshrl.u32 s5, $0x1;
	s4 =	sadd.s32 s6, s4  }
0xd: {  	s3 =	sadd.s32 s3, s6;
	s6 =	simm.s32 $0x1;
	s5 =	ssub.s32 s5, s7  }
0xe: {  	s4 =	sadd.s32 $0xC00, s4;
	s7 =	simm.s32 $0x800;
	s5 =	smax.u32 s5, $0x1  }
.LBB2_2:
0xf: {  	_ =	strace $0x80000048  }
0x10: {  	[tilespmem:s2], [sflag:$0x1] =	stream.linear.gather [hbm4b:s3+s2], $0x400, $0x200038;
	[tilespmem:$0x1000] =	vst v63  }
0x11: {  	_ =	strace $0x90000048  }
0x12: {  	_ =	strace $0x8000004A  }
0x13: {  	_ =	swait.ge [sflag:s6], $0x400  }
0x14: {  	[sflag:s6] =	ssyncset.done $0x0  }
0x15: {  	[sflag:s6] =	ssyncadd.s32 $0xFFFFFC00  }
0x16: {  	_ =	strace $0x9000004A  }
0x17: {  	s10 =	simm.s32 $0xFFFFFF80;
	_ =	strace $0x8000004B  }
0x18: {  	v12 =	vld [tilespmem:s10+$0x400]  }
0x19: {  	v13 =	vld [tilespmem:s10+$0x80]  }
0x1a: {  	v11 =	vld [tilespmem:s10+$0x100]  }
0x1b: {  	v14 =	vld [tilespmem:s10+$0x180]  }
0x1c: {  	v15 =	vld [tilespmem:s10+$0x200]  }
0x1d: {  	v9 =	vld [tilespmem:s10+$0x280]  }
0x1e: {  	v16 =	vld [tilespmem:s10+$0x300]  }
0x1f: {  	v17 =	vld [tilespmem:s10+$0x380];
	v0 =	vmax.f32 v13, v11  }
0x20: {  	v0 =	vmax.f32 v0, v14  }
0x21: {  	v0 =	vmax.f32 v0, v15  }
0x22: {  	v0 =	vmax.f32 v0, v9  }
0x23: {  	v0 =	vmax.f32 v0, v16  }
0x24: {  	v18 =	vand.u32 $0x7FFFFFFF, v17;
	v19 =	vand.u32 $0x7FFFFFFF, v12;
	v0 =	vmax.f32 v0, v17  }
0x25: {  	v20 =	vand.u32 $0x7FFFFFFF, v9;
	v21 =	vand.u32 $0x7FFFFFFF, v16;
	v10 =	vmax.f32 v0, v12  }
0x26: {  	v22 =	vand.u32 $0x7FFFFFFF, v14;
	v23 =	vand.u32 $0x7FFFFFFF, v15;
	v24 =	vsub.f32 v10, v12  }
0x27: {  	v25 =	vand.u32 $0x7FFFFFFF, v13;
	v26 =	vsub.f32 v10, v16;
	v27 =	vsub.f32 v10, v17  }
0x28: {  	v28 =	vand.u32 $0x7FFFFFFF, v11;
	v29 =	vsub.f32 v10, v15;
	v30 =	vsub.f32 v10, v9  }
0x29: {  	v31 =	vsub.f32 v10, v14;
	v0 =	vmax.f32 v18, v10;
	v1 =	vmax.f32 v19, v10  }
0x2a: {  	v32 =	vsub.f32 v10, v13;
	v33 =	vsub.f32 v10, v11;
	v2 =	vmax.f32 v21, v10  }
0x2b: {  	v34 =	vmax.f32 v22, v10;
	v35 =	vmax.f32 v23, v10;
	v36 =	vmax.f32 v20, v10  }
0x2c: {  	vm0 =	vge.f32 v16, v10;
	vm1 =	vge.f32 v17, v10;
	vm7 =	vge.f32 v12, v10  }
0x2d: {  	vm6 =	vge.f32 v13, v10;
	vm4 =	vge.f32 v11, v10;
	vm2 =	vge.f32 v9, v10  }
0x2e: {  	vm5 =	vge.f32 v14, v10;
	v6 =	vsel vm6, $0xFF800000, v13;
	v5 =	vsel vm4, $0xFF800000, v11  }
0x2f: {  	vm3 =	vge.f32 v15, v10;
	v7 =	vsel vm5, $0xFF800000, v14;
	v3 =	vmax.f32 v6, v5  }
0x30: {  	v4 =	vsel vm3, $0xFF800000, v15;
	(erf) = vrcp.f32 v1;
	v3 =	vmax.f32 v3, v7  }
0x31: {  	v8 =	vsel vm2, $0xFF800000, v9;
	(erf) = vrcp.f32 v0;
	v1 =	vmax.f32 v3, v4  }
0x32: {  	(erf) = vrcp.f32 v2;
	v3 =	vsel vm0, $0xFF800000, v16;
	v0 =	vmax.f32 v1, v8  }
0x33: {  	(erf) = vrcp.f32 v36;
	v1 =	vsel vm1, $0xFF800000, v17;
	v2 =	vmax.f32 v0, v3  }
0x34: {  	(erf) = vrcp.f32 v35;
	v0 =	vsel vm7, $0xFF800000, v12;
	v2 =	vmax.f32 v2, v1  }
0x35: {  	v51 =	vmax.f32 v25, v10;
	(erf) = vrcp.f32 v34;
	v2 =	vmax.f32 v2, v0  }
0x36: {  	v52 =	vmax.f32 v28, v10;
	(erf) = vrcp.f32 v51;
	v53 =	vsub.f32 v2, v12  }
0x37: {  	(erf) = vrcp.f32 v52;
	v54 =	vsub.f32 v2, v16;
	v37 =	vsub.f32 v2, v17  }
0x38: {  	v55 =	vsub.f32 v2, v15;
	v38 =	vsub.f32 v2, v9;
	v19 =	vmax.f32 v19, v2  }
0x39: {  	v39 =	vsub.f32 v2, v13;
	v40 =	vsub.f32 v2, v14;
	v18 =	vmax.f32 v18, v2  }
0x3a: {  	v56 =	vsub.f32 v2, v11;
	v21 =	vmax.f32 v21, v2;
	v20 =	vmax.f32 v20, v2;
	v41 =	vpop (erf)  }
0x3b: {  	v23 =	vmax.f32 v23, v2;
	v22 =	vmax.f32 v22, v2;
	v24 =	vmul.f32 v41, v24;
	v42 =	vpop (erf)  }
0x3c: {  	v25 =	vmax.f32 v25, v2;
	(erf) = vrcp.f32 v19;
	v19 =	vmul.f32 v42, v27;
	v27 =	vpop (erf)  }
0x3d: {  	v61 =	vmax.f32 v28, v2;
	(erf) = vrcp.f32 v18;
	v18 =	vmul.f32 v27, v26;
	v57 =	vpop (erf)  }
0x3e: {  	(erf) = vrcp.f32 v21;
	vm8 =	vgt.f32 v24, $1.999999960e-02;
	v21 =	vmul.f32 v57, v30  }
0x3f: {  	v58 =	vpop (erf);
	(erf) = vrcp.f32 v20;
	vm11 =	vgt.f32 v19, $1.999999960e-02;
	v12 =	vsel vm8, $0xFF800000, v12  }
0x40: {  	v20 =	vmul.f32 v58, v29;
	v59 =	vpop (erf);
	(erf) = vrcp.f32 v23;
	vm10 =	vgt.f32 v18, $1.999999960e-02  }
0x41: {  	v17 =	vsel vm11, $0xFF800000, v17;
	v12 =	vsub.f32 v12, v10;
	v23 =	vmul.f32 v59, v31  }
0x42: {  	v60 =	vpop (erf);
	(erf) = vrcp.f32 v22;
	vm9 =	vgt.f32 v21, $1.999999960e-02;
	v16 =	vsel vm10, $0xFF800000, v16  }
0x43: {  	v22 =	vmul.f32 v60, v32;
	v27 =	vpop (erf);
	(erf) = vrcp.f32 v25;
	vm14 =	vgt.f32 v20, $1.999999960e-02  }
0x44: {  	v16 =	vsub.f32 v16, v10;
	v9 =	vsel vm9, $0xFF800000, v9;
	v62 =	vmul.f32 v27, v33  }
0x45: {  	(erf) = vrcp.f32 v61;
	vm13 =	vgt.f32 v23, $1.999999960e-02;
	v15 =	vsel vm14, $0xFF800000, v15  }
0x46: {  	vm12 =	vgt.f32 v22, $1.999999960e-02;
	v14 =	vsel vm13, $0xFF800000, v14;
	v15 =	vsub.f32 v15, v10  }
0x47: {  	v18 =	vpop (erf);
	vm15 =	vgt.f32 v62, $1.999999960e-02;
	v13 =	vsel vm12, $0xFF800000, v13;
	v14 =	vsub.f32 v14, v10  }
0x48: {  	v19 =	vpop (erf);
	v13 =	vsub.f32 v13, v10;
	v11 =	vsel vm15, $0xFF800000, v11;
	v15 =	vmul.f32 $1.442695020e+00, v15  }
0x49: {  	v16 =	vmul.f32 $1.442695020e+00, v16;
	v20 =	vpop (erf);
	v11 =	vsub.f32 v11, v10;
	v14 =	vmul.f32 $1.442695020e+00, v14  }
0x4a: {  	v9 =	vsub.f32 v9, v10;
	v21 =	vpop (erf);
	v13 =	vmul.f32 $1.442695020e+00, v13;
	(erf) = vpow2.f32 v15  }
0x4b: {  	v10 =	vsub.f32 v17, v10;
	v22 =	vpop (erf);
	v11 =	vmul.f32 $1.442695020e+00, v11;
	(erf) = vpow2.f32 v14  }
0x4c: {  	v9 =	vmul.f32 $1.442695020e+00, v9;
	v23 =	vpop (erf);
	(erf) = vpow2.f32 v13  }
0x4d: {  	v10 =	vmul.f32 $1.442695020e+00, v10;
	v63 =	vpop (erf);
	(erf) = vpow2.f32 v11  }
0x4e: {  	v13 =	vmul.f32 v23, v40;
	v15 =	vpop (erf);
	v24 =	vmul.f32 v63, v39  }
0x4f: {  	v14 =	vmul.f32 v15, v56;
	v15 =	vmul.f32 v20, v54  }
0x50: {  	vm14 =	vgt.f32 v13, $1.999999960e-02;
	v13 =	vmul.f32 v22, v55;
	vm12 =	vgt.f32 v24, $1.999999960e-02  }
0x51: {  	v20 =	vmul.f32 v21, v38;
	v11 =	vsel vm12, $0xFF800000, v6;
	vm13 =	vgt.f32 v14, $1.999999960e-02  }
0x52: {  	v17 =	vsel vm14, $0xFF800000, v7;
	v11 =	vsub.f32 v11, v2;
	v14 =	vsel vm13, $0xFF800000, v5  }
0x53: {  	v17 =	vsub.f32 v17, v2;
	vm15 =	vgt.f32 v13, $1.999999960e-02;
	v14 =	vsub.f32 v14, v2  }
0x54: {  	vm13 =	vgt.f32 v15, $1.999999960e-02;
	v15 =	vmul.f32 v19, v37;
	v11 =	vmul.f32 $1.442695020e+00, v11  }
0x55: {  	vm12 =	vgt.f32 v20, $1.999999960e-02;
	v13 =	vsel vm15, $0xFF800000, v4;
	v14 =	vmul.f32 $1.442695020e+00, v14  }
0x56: {  	v13 =	vsub.f32 v13, v2;
	vm14 =	vgt.f32 v15, $1.999999960e-02;
	(erf) = vpow2.f32 v11  }
0x57: {  	v11 =	vmul.f32 $1.442695020e+00, v17;
	(erf) = vpow2.f32 v14;
	v14 =	vsel vm12, $0xFF800000, v8  }
0x58: {  	v15 =	vmul.f32 v18, v53;
	v13 =	vmul.f32 $1.442695020e+00, v13;
	v14 =	vsub.f32 v14, v2  }
0x59: {  	v18 =	vsel vm14, $0xFF800000, v1;
	(erf) = vpow2.f32 v11;
	v11 =	vsel vm13, $0xFF800000, v3  }
0x5a: {  	v11 =	vsub.f32 v11, v2;
	(erf) = vpow2.f32 v13;
	v14 =	vmul.f32 $1.442695020e+00, v14  }
0x5b: {  	v17 =	vpop (erf);
	vm15 =	vgt.f32 v15, $1.999999960e-02;
	v15 =	vsub.f32 v18, v2;
	(erf) = vpow2.f32 v9  }
0x5c: {  	v18 =	vsel vm15, $0xFF800000, v0;
	v13 =	vpop (erf);
	v11 =	vmul.f32 $1.442695020e+00, v11;
	(erf) = vpow2.f32 v14  }
0x5d: {  	v9 =	vpop (erf);
	(erf) = vpow2.f32 v16  }
0x5e: {  	v14 =	vpop (erf);
	(erf) = vpow2.f32 v11;
	v11 =	vmul.f32 $1.442695020e+00, v12  }
0x5f: {  	v15 =	vmul.f32 $1.442695020e+00, v15;
	v16 =	vsub.f32 v18, v2;
	v18 =	vpop (erf)  }
0x60: {  	(erf) = vpow2.f32 v10;
	v10 =	vpop (erf)  }
0x61: {  	(erf) = vpow2.f32 v15;
	v19 =	vadd.f32 v10, v18  }
0x62: {  	v16 =	vmul.f32 $1.442695020e+00, v16;
	(erf) = vpow2.f32 v11;
	v11 =	vpop (erf)  }
0x63: {  	v15 =	vadd.f32 v19, v11  }
0x64: {  	v12 =	vadd.f32 v14, v9;
	_ =	sdelay $0x1  }
0x65: {  	v12 =	vadd.f32 v12, v13;
	(erf) = vpow2.f32 v16;
	v16 =	vpop (erf)  }
0x66: {  	vm8 =	vge.f32 v8, v2;
	v8 =	vadd.f32 v15, v16;
	v15 =	vpop (erf)  }
0x67: {  	vm9 =	vge.f32 v7, v2;
	v12 =	vadd.f32 v12, v17;
	v7 =	vpop (erf)  }
0x68: {  	vm10 =	vge.f32 v6, v2;
	v9 =	vadd.f32 $0.0e+00, v9;
	v6 =	vadd.f32 v8, v7  }
0x69: {  	v18 =	vadd.f32 $0.0e+00, v18;
	v12 =	vadd.f32 v12, v15  }
0x6a: {  	vm11 =	vge.f32 v5, v2;
	v8 =	vpop (erf)  }
0x6b: {  	v14 =	vnsel vm4, $0x0, v14;
	v9 =	vnsel vm6, $0x0, v9;
	v12 =	vadd.f32 v12, v8;
	v19 =	vpop (erf)  }
0x6c: {  	v10 =	vnsel vm11, $0x0, v10;
	v13 =	vnsel vm5, $0x0, v13;
	v5 =	vadd.f32 v6, v19;
	v6 =	vpop (erf)  }
0x6d: {  	v9 =	vadd.f32 v9, v14;
	v14 =	vnsel vm10, $0x0, v18;
	v12 =	vadd.f32 v12, v6;
	v18 =	vpop (erf)  }
0x6e: {  	vm12 =	vge.f32 v4, v2;
	v10 =	vadd.f32 v14, v10;
	v5 =	vadd.f32 v5, v18;
	v20 =	vpop (erf)  }
0x6f: {  	v11 =	vnsel vm9, $0x0, v11;
	v9 =	vadd.f32 v9, v13;
	v12 =	vadd.f32 v12, v20;
	v13 =	vpop (erf)  }
0x70: {  	v4 =	vadd.f32 v5, v13;
	v5 =	vadd.f32 v10, v11;
	v10 =	vnsel vm3, $0x0, v17  }
0x71: {  	v11 =	vnsel vm12, $0x0, v16;
	(erf) = vrcp.f32 v12;
	v9 =	vadd.f32 v9, v10  }
0x72: {  	v5 =	vadd.f32 v5, v11;
	(erf) = vrcp.f32 v4;
	v4 =	vnsel vm2, $0x0, v15  }
0x73: {  	v7 =	vnsel vm8, $0x0, v7;
	v4 =	vadd.f32 v9, v4  }
0x74: {  	vm13 =	vge.f32 v3, v2;
	v3 =	vadd.f32 v5, v7;
	v5 =	vnsel vm0, $0x0, v8  }
0x75: {  	vm14 =	vge.f32 v1, v2;
	v7 =	vnsel vm13, $0x0, v19;
	v4 =	vadd.f32 v4, v5  }
0x76: {  	vm15 =	vge.f32 v0, v2;
	v1 =	vadd.f32 v3, v7;
	v3 =	vnsel vm1, $0x0, v6  }
0x77: {  	s11 =	simm.s32 $0xFFFFFF90;
	v2 =	vnsel vm15, $0x0, v13;
	v5 =	vnsel vm14, $0x0, v18;
	v3 =	vadd.f32 v4, v3  }
0x78: {  	v14 =	vld [tilespmem:s11+$0x400];
	v0 =	vadd.f32 v1, v5  }
0x79: {  	v16 =	vld [tilespmem:s11+$0x200];
	vm0 =	vmmov vm0;
	v1 =	vnsel vm7, $0x0, v20  }
0x7a: {  	v13 =	vld [tilespmem:s11+$0x280];
	v4 =	vimm.s32 $0x0;
	v1 =	vadd.f32 v3, v1;
	v0 =	vadd.f32 v0, v2;
	v2 =	vpop (erf)  }
0x7b: {  	v17 =	vld [tilespmem:s11+$0x300];
	v4 =	vsel vm0, $0xFFFFFFFF, v4;
	vm0 =	vmmov vm1;
	v3 =	vpop (erf)  }
0x7c: {  	v12 =	vld [tilespmem:s11+$0x80];
	v7 =	vmul.f32 v1, v2;
	v1 =	vmul.f32 v0, v3;
	v0 =	vimm.s32 $0x0  }
0x7d: {  	v11 =	vld [tilespmem:s11+$0x100];
	v0 =	vsel vm0, $0xFFFFFFFF, v0  }
0x7e: {  	v15 =	vld [tilespmem:s11+$0x180];
	vm1 =	vmmov vm2;
	[tilespmem:$0x1FFD0] =	vst v0;
	v0 =	vimm.s32 $0x0  }
0x7f: {  	v0 =	vsel vm1, $0xFFFFFFFF, v0  }
0x80: {  	v43 =	vand.u32 $0x7FFFFFFF, v14;
	vm1 =	vmmov vm3;
	[tilespmem:$0x1FFE0] =	vst v0;
	v0 =	vimm.s32 $0x0  }
0x81: {  	v35 =	vand.u32 $0x7FFFFFFF, v13;
	v38 =	vand.u32 $0x7FFFFFFF, v17;
	v20 =	vld [tilespmem:s11+$0x380];
	v0 =	vsel vm1, $0xFFFFFFFF, v0  }
0x82: {  	v3 =	vmax.f32 v12, v11;
	v2 =	vnsel vm15, $0x0, v1;
	[tilespmem:$0x1FFF0] =	vst v0;
	v0 =	vnsel vm7, $0x0, v7  }
0x83: {  	v33 =	vand.u32 $0x7FFFFFFF, v16;
	v23 =	vadd.f32 v2, v0;
	v0 =	vmax.f32 v3, v15  }
0x84: {  	v30 =	vand.u32 $0x7FFFFFFF, v12;
	v31 =	vand.u32 $0x7FFFFFFF, v15;
	v6 =	vmax.f32 v0, v16  }
0x85: {  	v29 =	vand.u32 $0x7FFFFFFF, v11;
	v10 =	vnsel vm6, $0x0, v7;
	v6 =	vmax.f32 v6, v13  }
0x86: {  	v8 =	vnsel vm4, $0x0, v7;
	v41 =	vand.u32 $0x7FFFFFFF, v20;
	v18 =	vmax.f32 v6, v17  }
0x87: {  	v9 =	vnsel vm10, $0x0, v1;
	v5 =	vnsel vm11, $0x0, v1;
	v18 =	vmax.f32 v18, v20  }
0x88: {  	[tilespmem:$0x1FFC0] =	vst v4;
	v4 =	vnsel vm9, $0x0, v1;
	v3 =	vnsel vm12, $0x0, v1;
	v18 =	vmax.f32 v18, v14  }
0x89: {  	v2 =	vnsel vm8, $0x0, v1;
	v0 =	vnsel vm13, $0x0, v1;
	v45 =	vsub.f32 v18, v14  }
0x8a: {  	v1 =	vnsel vm14, $0x0, v1;
	v39 =	vsub.f32 v18, v17;
	v44 =	vsub.f32 v18, v20  }
0x8b: {  	v6 =	vnsel vm5, $0x0, v7;
	v37 =	vsub.f32 v18, v16;
	v40 =	vsub.f32 v18, v13  }
0x8c: {  	v36 =	vsub.f32 v18, v15;
	v19 =	vmax.f32 v41, v18;
	v22 =	vmax.f32 v43, v18  }
0x8d: {  	v34 =	vsub.f32 v18, v12;
	v32 =	vsub.f32 v18, v11;
	v21 =	vmax.f32 v38, v18  }
0x8e: {  	s12 =	simm.s32 $0xFFFFFE80;
	[tilespmem:s10+$0xC00] =	vst v23;
	v42 =	vmax.f32 v31, v18;
	v46 =	vmax.f32 v33, v18;
	v47 =	vmax.f32 v35, v18  }
.LBB2_3:
0x8f: {  	vm8 =	vge.f32 v17, v18;
	vm9 =	vge.f32 v20, v18  }
0x90: {  	vm3 =	vge.f32 v14, v18;
	v23 =	vimm.s32 $0x0;
	vm5 =	vge.f32 v12, v18  }
0x91: {  	vm11 =	vge.f32 v11, v18;
	(erf) = vrcp.f32 v22;
	v23 =	vsel vm3, $0xFFFFFFFF, v23  }
0x92: {  	vm6 =	vge.f32 v13, v18;
	(erf) = vrcp.f32 v19;
	[tilespmem:$0x1FFA0] =	vst v23;
	v23 =	vimm.s32 $0x0  }
0x93: {  	vm10 =	vge.f32 v15, v18;
	(erf) = vrcp.f32 v21;
	v23 =	vsel vm5, $0xFFFFFFFF, v23  }
0x94: {  	vm0 =	vge.f32 v16, v18;
	v55 =	vmax.f32 v30, v18;
	[tilespmem:$0x1FFB0] =	vst v23;
	v23 =	vimm.s32 $0x0  }
0x95: {  	v26 =	vsel vm5, $0xFF800000, v12;
	v25 =	vsel vm11, $0xFF800000, v11;
	v23 =	vsel vm0, $0xFFFFFFFF, v23  }
0x96: {  	v56 =	vmax.f32 v29, v18;
	v27 =	vsel vm10, $0xFF800000, v15;
	[tilespmem:$0x1FF90] =	vst v23;
	v23 =	vmax.f32 v26, v25  }
0x97: {  	v24 =	vsel vm0, $0xFF800000, v16;
	(erf) = vrcp.f32 v47;
	v23 =	vmax.f32 v23, v27  }
0x98: {  	v28 =	vsel vm6, $0xFF800000, v13;
	(erf) = vrcp.f32 v46;
	v22 =	vmax.f32 v23, v24  }
0x99: {  	(erf) = vrcp.f32 v42;
	v23 =	vsel vm8, $0xFF800000, v17;
	v19 =	vmax.f32 v22, v28  }
0x9a: {  	(erf) = vrcp.f32 v55;
	v22 =	vsel vm9, $0xFF800000, v20;
	v52 =	vpop (erf);
	v21 =	vmax.f32 v19, v23  }
0x9b: {  	(erf) = vrcp.f32 v56;
	v19 =	vsel vm3, $0xFF800000, v14;
	v53 =	vpop (erf);
	v21 =	vmax.f32 v21, v22  }
0x9c: {  	v45 =	vmul.f32 v52, v45;
	v57 =	vmul.f32 v53, v44;
	v58 =	vpop (erf);
	v21 =	vmax.f32 v21, v19  }
0x9d: {  	v39 =	vmul.f32 v58, v39;
	v42 =	vsub.f32 v21, v14;
	v48 =	vsub.f32 v21, v17  }
0x9e: {  	vm1 =	vgt.f32 v45, $1.999999960e-02;
	v46 =	vsub.f32 v21, v20;
	v47 =	vsub.f32 v21, v16  }
0x9f: {  	v49 =	vsub.f32 v21, v13;
	v43 =	vmax.f32 v43, v21;
	v50 =	vsub.f32 v21, v12  }
0xa0: {  	v51 =	vsub.f32 v21, v15;
	v41 =	vmax.f32 v41, v21;
	(erf) = vrcp.f32 v43  }
0xa1: {  	v59 =	vpop (erf);
	v52 =	vsub.f32 v21, v11;
	v38 =	vmax.f32 v38, v21;
	(erf) = vrcp.f32 v41  }
0xa2: {  	v35 =	vmax.f32 v35, v21;
	v60 =	vmul.f32 v59, v40;
	(erf) = vrcp.f32 v38  }
0xa3: {  	v33 =	vmax.f32 v33, v21;
	v61 =	vpop (erf);
	v31 =	vmax.f32 v31, v21;
	(erf) = vrcp.f32 v35  }
0xa4: {  	v30 =	vmax.f32 v30, v21;
	v29 =	vmax.f32 v29, v21;
	v63 =	vpop (erf);
	(erf) = vrcp.f32 v33  }
0xa5: {  	vm7 =	vgt.f32 v57, $1.999999960e-02;
	v14 =	vsel vm1, $0xFF800000, v14;
	v41 =	vpop (erf);
	(erf) = vrcp.f32 v31  }
0xa6: {  	v62 =	vmul.f32 v61, v37;
	vm2 =	vgt.f32 v39, $1.999999960e-02;
	v44 =	vpop (erf);
	(erf) = vrcp.f32 v30  }
0xa7: {  	v20 =	vsel vm7, $0xFF800000, v20;
	v40 =	vmul.f32 v63, v36;
	v31 =	vmul.f32 v41, v34  }
0xa8: {  	v14 =	vsub.f32 v14, v18;
	v32 =	vmul.f32 v44, v32;
	(erf) = vrcp.f32 v29  }
0xa9: {  	vm0 =	vgt.f32 v60, $1.999999960e-02;
	vm14 =	vgt.f32 v62, $1.999999960e-02;
	vm13 =	vgt.f32 v40, $1.999999960e-02;
	v29 =	vpop (erf)  }
0xaa: {  	v16 =	vsel vm14, $0xFF800000, v16;
	v15 =	vsel vm13, $0xFF800000, v15;
	vm15 =	vgt.f32 v32, $1.999999960e-02;
	v30 =	vpop (erf)  }
0xab: {  	v16 =	vsub.f32 v16, v18;
	vm12 =	vgt.f32 v31, $1.999999960e-02;
	v11 =	vsel vm15, $0xFF800000, v11;
	v31 =	vpop (erf)  }
0xac: {  	v15 =	vsub.f32 v15, v18;
	v12 =	vsel vm12, $0xFF800000, v12;
	v11 =	vsub.f32 v11, v18;
	v45 =	vpop (erf)  }
0xad: {  	v17 =	vsel vm2, $0xFF800000, v17;
	v54 =	vmul.f32 $1.442695020e+00, v16;
	v12 =	vsub.f32 v12, v18;
	v53 =	vpop (erf)  }
0xae: {  	v17 =	vsub.f32 v17, v18;
	v15 =	vmul.f32 $1.442695020e+00, v15;
	v11 =	vmul.f32 $1.442695020e+00, v11;
	v55 =	vpop (erf)  }
0xaf: {  	v13 =	vsel vm0, $0xFF800000, v13;
	v12 =	vmul.f32 $1.442695020e+00, v12;
	v32 =	vmul.f32 v45, v49;
	v56 =	vpop (erf)  }
0xb0: {  	v13 =	vsub.f32 v13, v18;
	(erf) = vpow2.f32 v54;
	v35 =	vmul.f32 v56, v50  }
0xb1: {  	v16 =	vpop (erf);
	(erf) = vpow2.f32 v15;
	v15 =	vsub.f32 v20, v18;
	v18 =	vmul.f32 v31, v48  }
0xb2: {  	v16 =	vmul.f32 v16, v52;
	(erf) = vpow2.f32 v12  }
0xb3: {  	v12 =	vmul.f32 $1.442695020e+00, v13;
	v13 =	vmul.f32 v55, v51;
	vm12 =	vgt.f32 v35, $1.999999960e-02  }
0xb4: {  	(erf) = vpow2.f32 v11;
	vm7 =	vgt.f32 v18, $1.999999960e-02;
	v18 =	vmul.f32 v30, v46  }
0xb5: {  	v11 =	vsel vm12, $0xFF800000, v26;
	vm13 =	vgt.f32 v16, $1.999999960e-02;
	vm14 =	vgt.f32 v13, $1.999999960e-02  }
0xb6: {  	v13 =	vmul.f32 v53, v47;
	v11 =	vsub.f32 v11, v21;
	v16 =	vsel vm13, $0xFF800000, v25  }
0xb7: {  	vm4 =	vgt.f32 v32, $1.999999960e-02;
	v20 =	vsel vm14, $0xFF800000, v27;
	v16 =	vsub.f32 v16, v21  }
0xb8: {  	vm12 =	vgt.f32 v18, $1.999999960e-02;
	vm15 =	vgt.f32 v13, $1.999999960e-02;
	v11 =	vmul.f32 $1.442695020e+00, v11  }
0xb9: {  	v57 =	vsub.f32 v20, v21;
	v13 =	vsel vm15, $0xFF800000, v24;
	v16 =	vmul.f32 $1.442695020e+00, v16  }
0xba: {  	v18 =	vmul.f32 v29, v42;
	v13 =	vsub.f32 v13, v21;
	v31 =	vpop (erf);
	(erf) = vpow2.f32 v11  }
0xbb: {  	v11 =	vmul.f32 $1.442695020e+00, v57;
	v20 =	vpop (erf);
	(erf) = vpow2.f32 v16;
	v16 =	vsel vm4, $0xFF800000, v28  }
0xbc: {  	v13 =	vmul.f32 $1.442695020e+00, v13;
	v30 =	vpop (erf);
	v16 =	vsub.f32 v16, v21  }
0xbd: {  	v17 =	vmul.f32 $1.442695020e+00, v17;
	vm13 =	vgt.f32 v18, $1.999999960e-02;
	v58 =	vpop (erf);
	(erf) = vpow2.f32 v11  }
0xbe: {  	v11 =	vsel vm7, $0xFF800000, v23;
	v16 =	vmul.f32 $1.442695020e+00, v16;
	(erf) = vpow2.f32 v13  }
0xbf: {  	v18 =	vmul.f32 $1.442695020e+00, v15;
	v11 =	vsub.f32 v11, v21;
	(erf) = vpow2.f32 v12  }
0xc0: {  	v15 =	vsel vm13, $0xFF800000, v19;
	v13 =	vsel vm12, $0xFF800000, v22;
	(erf) = vpow2.f32 v16  }
0xc1: {  	v12 =	vsub.f32 v13, v21;
	v11 =	vmul.f32 $1.442695020e+00, v11;
	(erf) = vpow2.f32 v17  }
0xc2: {  	v29 =	vmul.f32 $1.442695020e+00, v14;
	v15 =	vsub.f32 v15, v21  }
0xc3: {  	v14 =	vadd.f32 v58, v30;
	v12 =	vmul.f32 $1.442695020e+00, v12;
	v16 =	vpop (erf);
	(erf) = vpow2.f32 v11  }
0xc4: {  	(erf) = vpow2.f32 v18  }
0xc5: {  	v15 =	vmul.f32 $1.442695020e+00, v15;
	v13 =	vpop (erf);
	(erf) = vpow2.f32 v12;
	v12 =	vadd.f32 v14, v20;
	v14 =	vld [tilespmem:$0x1FFF0]  }
0xc6: {  	(erf) = vpow2.f32 v29;
	v11 =	vpop (erf)  }
0xc7: {  	(erf) = vpow2.f32 v15;
	v15 =	vld [tilespmem:$0x1FFE0];
	v12 =	vadd.f32 v12, v31;
	v18 =	vpop (erf)  }
0xc8: {  	vm12 =	vge.f32 v28, v21;
	v28 =	vpop (erf)  }
0xc9: {  	v9 =	vadd.f32 v9, v10;
	vm13 =	vge.f32 v27, v21;
	v10 =	vadd.f32 v12, v28;
	v27 =	vpop (erf)  }
0xca: {  	v12 =	vadd.f32 $0.0e+00, v30;
	vm14 =	vnez.u8 v14;
	v60 =	vpop (erf)  }
0xcb: {  	[tilespmem:s10+$0x880] =	vst v9;
	v17 =	vadd.f32 v13, v16;
	v14 =	vnsel vm14, $0x0, v7;
	v9 =	vadd.f32 v10, v60  }
0xcc: {  	v10 =	vnsel vm5, $0x0, v12;
	v12 =	vadd.f32 $0.0e+00, v16;
	vm15 =	vnez.u8 v15  }
0xcd: {  	vm14 =	vge.f32 v26, v21;
	v15 =	vnsel vm15, $0x0, v7;
	vm15 =	vge.f32 v25, v21  }
0xce: {  	v59 =	vld [tilespmem:$0x1FFD0];
	v12 =	vnsel vm14, $0x0, v12;
	v62 =	vnsel vm15, $0x0, v13  }
0xcf: {  	v29 =	vld [tilespmem:$0x1FFC0];
	v17 =	vadd.f32 v17, v11;
	v12 =	vadd.f32 v12, v62  }
0xd0: {  	v11 =	vnsel vm13, $0x0, v11  }
0xd1: {  	v17 =	vadd.f32 v17, v18;
	v30 =	vnsel vm11, $0x0, v58;
	v11 =	vadd.f32 v12, v11;
	v12 =	vld [tilespmem:$0x1FF90]  }
0xd2: {  	v5 =	vadd.f32 v5, v8;
	vm1 =	vmmov vm6;
	v16 =	vpop (erf)  }
0xd3: {  	v63 =	vnsel vm10, $0x0, v20;
	vm7 =	vnez.u8 v59;
	v17 =	vadd.f32 v17, v27;
	v61 =	vpop (erf)  }
0xd4: {  	vm4 =	vnez.u8 v29;
	v10 =	vadd.f32 v10, v30;
	v9 =	vadd.f32 v9, v61;
	v30 =	vpop (erf)  }
0xd5: {  	v29 =	vnsel vm4, $0x0, v7;
	v7 =	vnsel vm7, $0x0, v7;
	vm7 =	vge.f32 v24, v21;
	v13 =	vpop (erf)  }
0xd6: {  	v10 =	vadd.f32 v10, v63;
	v9 =	vadd.f32 v9, v13;
	vm2 =	vnez.u8 v12  }
0xd7: {  	v17 =	vadd.f32 v17, v16;
	v18 =	vnsel vm7, $0x0, v18;
	v12 =	vnsel vm2, $0x0, v31  }
0xd8: {  	v20 =	vpop (erf);
	(erf) = vrcp.f32 v9;
	v9 =	vadd.f32 v10, v12;
	v10 =	vadd.f32 v11, v18  }
0xd9: {  	v17 =	vadd.f32 v17, v30;
	v11 =	vnsel vm6, $0x0, v28;
	v12 =	vnsel vm12, $0x0, v27  }
0xda: {  	vm6 =	vge.f32 v23, v21;
	v8 =	vadd.f32 v9, v11;
	v9 =	vadd.f32 v10, v12  }
0xdb: {  	v4 =	vadd.f32 v4, v6;
	v11 =	vnsel vm6, $0x0, v16  }
0xdc: {  	vm5 =	vge.f32 v22, v21;
	v17 =	vadd.f32 v17, v20;
	v6 =	vadd.f32 v9, v11  }
0xdd: {  	v9 =	vnsel vm5, $0x0, v30  }
0xde: {  	[tilespmem:s10+$0x900] =	vst v5;
	(erf) = vrcp.f32 v17;
	v9 =	vadd.f32 v6, v9;
	v6 =	vld [tilespmem:$0x1FFA0]  }
0xdf: {  	s13 =	sshra.s32 s12, $0x2;
	[tilespmem:s10+$0x980] =	vst v4;
	v3 =	vadd.f32 v3, v14  }
0xe0: {  	vm3 =	vge.f32 v19, v21;
	v14 =	vld [tilespmem:s13+$0x400];
	v10 =	vnsel vm8, $0x0, v60  }
0xe1: {  	vm4 =	vmmov vm8;
	v2 =	vadd.f32 v2, v15;
	v12 =	vld [tilespmem:s13+$0x80];
	[tilespmem:s10+$0xA00] =	vst v3;
	v5 =	vadd.f32 v8, v10  }
0xe2: {  	v0 =	vadd.f32 v0, v29;
	vm8 =	vmmov vm9;
	v15 =	vld [tilespmem:s13+$0x180];
	v8 =	vnsel vm9, $0x0, v61  }
0xe3: {  	v11 =	vld [tilespmem:s13+$0x100];
	[tilespmem:s10+$0xA80] =	vst v2;
	v2 =	vimm.s32 $0x0;
	v4 =	vadd.f32 v5, v8;
	vm0 =	vnez.u8 v6  }
0xe4: {  	v1 =	vadd.f32 v1, v7;
	v2 =	vsel vm8, $0xFFFFFFFF, v2;
	v10 =	vnsel vm0, $0x0, v13  }
0xe5: {  	v16 =	vld [tilespmem:s13+$0x200];
	v8 =	vnsel vm3, $0x0, v20;
	[tilespmem:$0x1FFD0] =	vst v2;
	v2 =	vimm.s32 $0x0;
	v3 =	vadd.f32 v4, v10  }
0xe6: {  	v5 =	vpop (erf);
	v13 =	vld [tilespmem:s13+$0x280];
	[tilespmem:s10+$0xB00] =	vst v0;
	v0 =	vimm.s32 $0x0;
	v4 =	vadd.f32 v9, v8;
	v9 =	vimm.s32 $0x0  }
0xe7: {  	v6 =	vpop (erf);
	v8 =	vsel vm4, $0xFFFFFFFF, v9;
	vm4 =	vmmov vm1;
	v7 =	vmul.f32 v3, v5  }
0xe8: {  	v17 =	vld [tilespmem:s13+$0x300];
	[tilespmem:s10+$0xB80] =	vst v1;
	v6 =	vmul.f32 v4, v6;
	v2 =	vsel vm4, $0xFFFFFFFF, v2;
	vm4 =	vmmov vm2  }
0xe9: {  	v43 =	vand.u32 $0x7FFFFFFF, v14;
	s10 =	smov.u32 s11;
	s11 =	smov.u32 s13;
	[tilespmem:$0x1FFE0] =	vst v2;
	v0 =	vsel vm4, $0xFFFFFFFF, v0  }
0xea: {  	v1 =	vmax.f32 v12, v11;
	v20 =	vld [tilespmem:s11+$0x380];
	[tilespmem:$0x1FFF0] =	vst v0;
	v0 =	vnsel vm0, $0x0, v7;
	v2 =	vnsel vm3, $0x0, v6  }
0xeb: {  	v30 =	vand.u32 $0x7FFFFFFF, v12;
	[tilespmem:$0x1FFC0] =	vst v8;
	v8 =	vadd.f32 v2, v0;
	v0 =	vmax.f32 v1, v15  }
0xec: {  	v31 =	vand.u32 $0x7FFFFFFF, v15;
	v29 =	vand.u32 $0x7FFFFFFF, v11;
	v1 =	vmax.f32 v0, v16  }
0xed: {  	v33 =	vand.u32 $0x7FFFFFFF, v16;
	v9 =	vnsel vm14, $0x0, v6;
	[tilespmem:s10+$0xC00] =	vst v8;
	v8 =	vmax.f32 v1, v13  }
0xee: {  	v5 =	vnsel vm15, $0x0, v6;
	v4 =	vnsel vm13, $0x0, v6;
	v18 =	vmax.f32 v8, v17  }
0xef: {  	v3 =	vnsel vm7, $0x0, v6;
	v35 =	vand.u32 $0x7FFFFFFF, v13;
	v18 =	vmax.f32 v18, v20  }
0xf0: {  	v2 =	vnsel vm12, $0x0, v6;
	v38 =	vand.u32 $0x7FFFFFFF, v17;
	v18 =	vmax.f32 v18, v14  }
0xf1: {  	v0 =	vnsel vm6, $0x0, v6;
	v1 =	vld [tilespmem:$0x1FFB0];
	v45 =	vsub.f32 v18, v14;
	v39 =	vsub.f32 v18, v17  }
0xf2: {  	p0 =	sne.s32 s12, $0xFFFFFFC0;
	v41 =	vand.u32 $0x7FFFFFFF, v20;
	v44 =	vsub.f32 v18, v20;
	v37 =	vsub.f32 v18, v16  }
.Ltmp1:
0xf3: {  	v8 =	vnsel vm11, $0x0, v7;
	v40 =	vsub.f32 v18, v13;
	v36 =	vsub.f32 v18, v15;
	(pc) =	sbr.rel @p0 .LBB2_3-.Ltmp1, $4  }
0xf4: {  	v19 =	vmax.f32 v41, v18;
	v22 =	vmax.f32 v43, v18;
	v34 =	vsub.f32 v18, v12  }
0xf5: {  	v32 =	vsub.f32 v18, v11;
	v21 =	vmax.f32 v38, v18;
	v42 =	vmax.f32 v31, v18  }
0xf6: {  	v46 =	vmax.f32 v33, v18;
	v47 =	vmax.f32 v35, v18;
	vm15 =	vnez.u8 v1  }
0xf7: {  	s12 =	sadd.s32 $0x40, s12;
	v1 =	vnsel vm5, $0x0, v6;
	v6 =	vnsel vm10, $0x0, v7;
	v10 =	vnsel vm15, $0x0, v7  }
0xf8: {  	vm12 =	vge.f32 v17, v18  }
0xf9: {  	vm4 =	vge.f32 v20, v18;
	vm8 =	vge.f32 v14, v18;
	v23 =	vimm.s32 $0x0  }
0xfa: {  	vm7 =	vge.f32 v12, v18;
	vm6 =	vge.f32 v11, v18;
	vm15 =	vge.f32 v13, v18  }
0xfb: {  	vm10 =	vge.f32 v15, v18;
	v54 =	vimm.s32 $0x0;
	v55 =	vimm.s32 $0x0  }
0xfc: {  	vm14 =	vge.f32 v16, v18;
	(erf) = vrcp.f32 v22;
	v23 =	vsel vm8, $0xFFFFFFFF, v23  }
0xfd: {  	v27 =	vsel vm7, $0xFF800000, v12;
	v26 =	vsel vm6, $0xFF800000, v11;
	[tilespmem:$0x1FF60] =	vst v23;
	v23 =	vsel vm7, $0xFFFFFFFF, v54  }
0xfe: {  	v28 =	vsel vm10, $0xFF800000, v15;
	v56 =	vmax.f32 v27, v26;
	[tilespmem:$0x1FF70] =	vst v23;
	v23 =	vsel vm6, $0xFFFFFFFF, v55  }
0xff: {  	v58 =	vmax.f32 v30, v18;
	v25 =	vsel vm14, $0xFF800000, v16;
	[tilespmem:$0x1FF80] =	vst v23;
	v23 =	vmax.f32 v56, v28  }
0x100: {  	v59 =	vmax.f32 v29, v18;
	v24 =	vsel vm15, $0xFF800000, v13;
	v23 =	vmax.f32 v23, v25  }
0x101: {  	(erf) = vrcp.f32 v19;
	v22 =	vsel vm12, $0xFF800000, v17;
	v57 =	vmax.f32 v23, v24  }
0x102: {  	(erf) = vrcp.f32 v21;
	v21 =	vsel vm4, $0xFF800000, v20;
	v23 =	vmax.f32 v57, v22  }
0x103: {  	v19 =	vsel vm8, $0xFF800000, v14;
	(erf) = vrcp.f32 v47;
	v23 =	vmax.f32 v23, v21  }
0x104: {  	v9 =	vadd.f32 v9, v10;
	(erf) = vrcp.f32 v46;
	v23 =	vmax.f32 v23, v19  }
0x105: {  	v5 =	vadd.f32 v5, v8;
	(erf) = vrcp.f32 v42;
	v47 =	vsub.f32 v23, v14  }
0x106: {  	(erf) = vrcp.f32 v58;
	v46 =	vsub.f32 v23, v17;
	v48 =	vsub.f32 v23, v20  }
0x107: {  	(erf) = vrcp.f32 v59;
	v42 =	vsub.f32 v23, v16;
	v49 =	vsub.f32 v23, v13  }
0x108: {  	v52 =	vpop (erf);
	v43 =	vmax.f32 v43, v23;
	v50 =	vsub.f32 v23, v12;
	v51 =	vsub.f32 v23, v15  }
0x109: {  	v41 =	vmax.f32 v41, v23;
	v45 =	vmul.f32 v52, v45;
	v52 =	vsub.f32 v23, v11  }
0x10a: {  	v38 =	vmax.f32 v38, v23;
	v35 =	vmax.f32 v35, v23;
	v33 =	vmax.f32 v33, v23  }
0x10b: {  	v53 =	vpop (erf);
	v31 =	vmax.f32 v31, v23;
	v55 =	vmax.f32 v30, v23;
	(erf) = vrcp.f32 v43  }
0x10c: {  	v58 =	vmax.f32 v29, v23;
	v43 =	vmul.f32 v53, v44;
	v60 =	vpop (erf);
	(erf) = vrcp.f32 v41  }
0x10d: {  	v39 =	vmul.f32 v60, v39;
	v61 =	vpop (erf);
	vm0 =	vgt.f32 v45, $1.999999960e-02;
	(erf) = vrcp.f32 v38  }
0x10e: {  	v62 =	vmul.f32 v61, v40;
	v63 =	vpop (erf);
	vm3 =	vgt.f32 v43, $1.999999960e-02;
	(erf) = vrcp.f32 v35  }
0x10f: {  	v44 =	vmul.f32 v63, v37;
	v53 =	vpop (erf);
	vm2 =	vgt.f32 v39, $1.999999960e-02;
	(erf) = vrcp.f32 v33  }
0x110: {  	v61 =	vsel vm3, $0xFF800000, v20;
	vm3 =	vge.f32 v19, v23;
	v56 =	vpop (erf);
	(erf) = vrcp.f32 v31  }
0x111: {  	v54 =	vmul.f32 v53, v36;
	vm1 =	vgt.f32 v62, $1.999999960e-02;
	v59 =	vpop (erf);
	(erf) = vrcp.f32 v55  }
0x112: {  	v62 =	vsel vm0, $0xFF800000, v14;
	v38 =	vsel vm2, $0xFF800000, v17;
	(erf) = vrcp.f32 v58  }
0x113: {  	v57 =	vmul.f32 v56, v34;
	vm13 =	vgt.f32 v44, $1.999999960e-02;
	v17 =	vsub.f32 v38, v18  }
0x114: {  	v53 =	vsel vm1, $0xFF800000, v13;
	v60 =	vmul.f32 v59, v32;
	vm9 =	vgt.f32 v54, $1.999999960e-02;
	v29 =	vpop (erf)  }
0x115: {  	v36 =	vsel vm13, $0xFF800000, v16;
	v13 =	vsub.f32 v53, v18;
	vm11 =	vgt.f32 v57, $1.999999960e-02;
	v37 =	vpop (erf)  }
0x116: {  	v63 =	vsel vm9, $0xFF800000, v15;
	v16 =	vsub.f32 v36, v18;
	v17 =	vmul.f32 $1.442695020e+00, v17;
	v39 =	vpop (erf)  }
0x117: {  	vm8 =	vgt.f32 v60, $1.999999960e-02;
	v40 =	vsel vm11, $0xFF800000, v12;
	v15 =	vsub.f32 v63, v18;
	v41 =	vpop (erf)  }
0x118: {  	v12 =	vsub.f32 v40, v18;
	v43 =	vsel vm8, $0xFF800000, v11;
	v16 =	vmul.f32 $1.442695020e+00, v16;
	v44 =	vpop (erf)  }
0x119: {  	v57 =	vmul.f32 $1.442695020e+00, v13;
	v11 =	vsub.f32 v43, v18;
	v15 =	vmul.f32 $1.442695020e+00, v15;
	v45 =	vpop (erf)  }
0x11a: {  	vm2 =	vmmov vm4;
	v12 =	vmul.f32 $1.442695020e+00, v12;
	(erf) = vpow2.f32 v16;
	v54 =	vpop (erf)  }
0x11b: {  	v14 =	vsub.f32 v62, v18;
	v11 =	vmul.f32 $1.442695020e+00, v11;
	v55 =	vpop (erf);
	v35 =	vmul.f32 v54, v50  }
0x11c: {  	v56 =	vsub.f32 v61, v18;
	(erf) = vpow2.f32 v15;
	v16 =	vmul.f32 v55, v52  }
0x11d: {  	v60 =	vmul.f32 v39, v46;
	(erf) = vpow2.f32 v12;
	vm9 =	vgt.f32 v35, $1.999999960e-02  }
0x11e: {  	v59 =	vmul.f32 v45, v51;
	v58 =	vsel vm9, $0xFF800000, v27;
	vm11 =	vgt.f32 v16, $1.999999960e-02  }
0x11f: {  	(erf) = vpow2.f32 v11;
	v11 =	vsub.f32 v58, v23;
	v16 =	vsel vm11, $0xFF800000, v26  }
0x120: {  	v61 =	vmul.f32 v44, v42;
	vm13 =	vgt.f32 v59, $1.999999960e-02;
	v16 =	vsub.f32 v16, v23  }
0x121: {  	v63 =	vmul.f32 v41, v49;
	v62 =	vsel vm13, $0xFF800000, v28;
	v11 =	vmul.f32 $1.442695020e+00, v11  }
0x122: {  	vm5 =	vgt.f32 v61, $1.999999960e-02;
	v20 =	vsub.f32 v62, v23;
	v16 =	vmul.f32 $1.442695020e+00, v16  }
0x123: {  	vm8 =	vgt.f32 v63, $1.999999960e-02;
	v13 =	vsel vm5, $0xFF800000, v25;
	(erf) = vpow2.f32 v11  }
0x124: {  	v13 =	vsub.f32 v13, v23;
	v32 =	vmul.f32 $1.442695020e+00, v20;
	(erf) = vpow2.f32 v16  }
0x125: {  	v34 =	vmul.f32 v37, v48;
	v33 =	vsel vm8, $0xFF800000, v24;
	vm9 =	vgt.f32 v60, $1.999999960e-02  }
0x126: {  	v13 =	vmul.f32 $1.442695020e+00, v13;
	v16 =	vsub.f32 v33, v23;
	(erf) = vpow2.f32 v32  }
0x127: {  	v36 =	vmul.f32 v29, v47;
	v35 =	vsel vm9, $0xFF800000, v22;
	vm11 =	vgt.f32 v34, $1.999999960e-02  }
0x128: {  	v37 =	vpop (erf);
	v11 =	vsub.f32 v35, v23;
	v16 =	vmul.f32 $1.442695020e+00, v16;
	(erf) = vpow2.f32 v13  }
0x129: {  	vm13 =	vgt.f32 v36, $1.999999960e-02;
	v38 =	vpop (erf);
	v39 =	vsel vm11, $0xFF800000, v21;
	(erf) = vpow2.f32 v57  }
0x12a: {  	v40 =	vpop (erf);
	v41 =	vsub.f32 v39, v23;
	v11 =	vmul.f32 $1.442695020e+00, v11;
	(erf) = vpow2.f32 v16  }
0x12b: {  	v15 =	vmul.f32 $1.442695020e+00, v56;
	v43 =	vsel vm13, $0xFF800000, v19;
	v42 =	vpop (erf);
	(erf) = vpow2.f32 v17  }
0x12c: {  	v45 =	vsub.f32 v43, v23;
	v44 =	vmul.f32 $1.442695020e+00, v41;
	(erf) = vpow2.f32 v11;
	v46 =	vpop (erf)  }
0x12d: {  	v47 =	vmul.f32 $1.442695020e+00, v14;
	v48 =	vadd.f32 v42, v40;
	(erf) = vpow2.f32 v15;
	v49 =	vpop (erf)  }
0x12e: {  	v51 =	vmul.f32 $1.442695020e+00, v45;
	(erf) = vpow2.f32 v44;
	v50 =	vadd.f32 v49, v46  }
0x12f: {  	vm8 =	vge.f32 v26, v23;
	v14 =	vadd.f32 v48, v38;
	(erf) = vpow2.f32 v47;
	v52 =	vpop (erf)  }
0x130: {  	vm5 =	vmmov vm15;
	(erf) = vpow2.f32 v51;
	v53 =	vadd.f32 v50, v52  }
0x131: {  	vm13 =	vge.f32 v25, v23;
	v12 =	vadd.f32 $0.0e+00, v40;
	v14 =	vadd.f32 v14, v37;
	v54 =	vpop (erf)  }
0x132: {  	vm9 =	vge.f32 v27, v23;
	vm11 =	vge.f32 v28, v23;
	v55 =	vpop (erf);
	v18 =	vadd.f32 v53, v54  }
0x133: {  	v20 =	vnsel vm14, $0x0, v37;
	v12 =	vnsel vm7, $0x0, v12;
	v14 =	vadd.f32 v14, v55;
	v56 =	vpop (erf)  }
0x134: {  	v16 =	vnsel vm6, $0x0, v42;
	v29 =	vadd.f32 $0.0e+00, v46;
	v57 =	vpop (erf);
	v18 =	vadd.f32 v18, v56  }
0x135: {  	vm7 =	vmmov vm14;
	v12 =	vadd.f32 v12, v16;
	v14 =	vadd.f32 v14, v57;
	v58 =	vpop (erf)  }
0x136: {  	v15 =	vnsel vm8, $0x0, v49;
	v61 =	vnsel vm9, $0x0, v29;
	v59 =	vpop (erf);
	v18 =	vadd.f32 v18, v58  }
0x137: {  	v13 =	vnsel vm10, $0x0, v38;
	v15 =	vadd.f32 v61, v15;
	v14 =	vadd.f32 v14, v59;
	v60 =	vpop (erf)  }
0x138: {  	v12 =	vadd.f32 v12, v13;
	v11 =	vnsel vm11, $0x0, v52;
	v62 =	vpop (erf);
	v18 =	vadd.f32 v18, v60  }
0x139: {  	vm14 =	vge.f32 v24, v23;
	v11 =	vadd.f32 v15, v11;
	v14 =	vadd.f32 v14, v62;
	v63 =	vpop (erf)  }
0x13a: {  	v32 =	vld [tilespmem:$0x1FF60];
	v12 =	vadd.f32 v12, v20;
	v17 =	vnsel vm13, $0x0, v54;
	v18 =	vadd.f32 v18, v63  }
0x13b: {  	v38 =	vld [tilespmem:$0x1FFC0];
	v24 =	vnsel vm15, $0x0, v55;
	v11 =	vadd.f32 v11, v17;
	(erf) = vrcp.f32 v14  }
0x13c: {  	v25 =	vnsel vm14, $0x0, v56;
	v12 =	vadd.f32 v12, v24;
	(erf) = vrcp.f32 v18  }
0x13d: {  	v34 =	vld [tilespmem:$0x1FFF0];
	vm15 =	vge.f32 v22, v23;
	v26 =	vnsel vm12, $0x0, v57;
	v11 =	vadd.f32 v11, v25  }
0x13e: {  	v35 =	vld [tilespmem:$0x1FFE0];
	vm6 =	vge.f32 v21, v23;
	v28 =	vnsel vm15, $0x0, v58;
	v12 =	vadd.f32 v12, v26  }
0x13f: {  	vm1 =	vnez.u8 v32;
	v30 =	vnsel vm4, $0x0, v59;
	v11 =	vadd.f32 v11, v28  }
0x140: {  	v39 =	vld [tilespmem:$0x1FFD0];
	vm0 =	vnez.u8 v38;
	v31 =	vnsel vm6, $0x0, v60;
	v12 =	vadd.f32 v12, v30  }
0x141: {  	[tilespmem:s10+$0x880] =	vst v9;
	v9 =	vnsel vm0, $0x0, v7;
	v10 =	vnsel vm1, $0x0, v62;
	v11 =	vadd.f32 v11, v31  }
0x142: {  	vm4 =	vnez.u8 v34;
	v13 =	vnsel vm3, $0x0, v63;
	v10 =	vadd.f32 v12, v10  }
0x143: {  	v11 =	vadd.f32 v11, v13;
	v13 =	vnsel vm4, $0x0, v7;
	vm4 =	vnez.u8 v35  }
0x144: {  	v4 =	vadd.f32 v4, v6;
	v0 =	vadd.f32 v0, v9;
	v14 =	vnsel vm4, $0x0, v7;
	v33 =	vpop (erf)  }
0x145: {  	v47 =	vld [tilespmem:$0x1FF70];
	vm4 =	vnez.u8 v39;
	v3 =	vadd.f32 v3, v13;
	v37 =	vmul.f32 v10, v33;
	v36 =	vpop (erf)  }
0x146: {  	[tilespmem:s10+$0x900] =	vst v5;
	v50 =	vld [tilespmem:$0x1FF80];
	v40 =	vnsel vm4, $0x0, v7;
	v2 =	vadd.f32 v2, v14;
	v8 =	vmul.f32 v11, v36  }
0x147: {  	[tilespmem:s10+$0x980] =	vst v4;
	v1 =	vadd.f32 v1, v40;
	v42 =	vnsel vm1, $0x0, v37;
	v52 =	vnsel vm10, $0x0, v37  }
0x148: {  	[tilespmem:s10+$0xB00] =	vst v0;
	v41 =	vnsel vm9, $0x0, v8;
	v43 =	vnsel vm3, $0x0, v8;
	v11 =	vnsel vm8, $0x0, v8  }
0x149: {  	[tilespmem:s10+$0xA00] =	vst v3;
	v44 =	vnsel vm11, $0x0, v8;
	v45 =	vnsel vm13, $0x0, v8;
	v46 =	vnsel vm14, $0x0, v8  }
0x14a: {  	[tilespmem:s10+$0xA80] =	vst v2;
	vm8 =	vnez.u8 v47;
	v49 =	vnsel vm15, $0x0, v8;
	v48 =	vadd.f32 v43, v42  }
0x14b: {  	[tilespmem:s10+$0xB80] =	vst v1;
	vm9 =	vnez.u8 v50;
	v7 =	vnsel vm8, $0x0, v37;
	v55 =	vadd.f32 v44, v52  }
0x14c: {  	vm11 =	vmmov vm7;
	v10 =	vnsel vm9, $0x0, v37;
	v51 =	vadd.f32 v41, v7;
	[tilespmem:s11+$0xC00] =	vst v48  }
0x14d: {  	vm13 =	vmmov vm5;
	v54 =	vnsel vm11, $0x0, v37;
	v53 =	vadd.f32 v11, v10;
	[tilespmem:s11+$0x980] =	vst v55  }
0x14e: {  	vm14 =	vmmov vm12;
	v56 =	vnsel vm13, $0x0, v37;
	v57 =	vadd.f32 v45, v54;
	[tilespmem:s11+$0x880] =	vst v51  }
0x14f: {  	vm15 =	vmmov vm2;
	v58 =	vnsel vm14, $0x0, v37;
	v59 =	vadd.f32 v46, v56;
	[tilespmem:s11+$0x900] =	vst v53  }
0x150: {  	v60 =	vnsel vm6, $0x0, v8;
	v61 =	vnsel vm15, $0x0, v37;
	v62 =	vadd.f32 v49, v58;
	[tilespmem:s11+$0xA00] =	vst v57  }
0x151: {  	v63 =	vadd.f32 v60, v61;
	[tilespmem:s11+$0xA80] =	vst v59  }
0x152: {  	[tilespmem:s11+$0xB00] =	vst v62  }
0x153: {  	[tilespmem:s11+$0xB80] =	vst v63  }
0x154: {  	_ =	strace $0x9000004B  }
0x155: {  	s9 =	sadd.s32 $0x1, s9;
	_ =	strace $0x8000004C  }
0x156: {  	[hbm4b:s4+s2] =	stream.linear.scatter [tilespmem:s7], [sflag:$0x3], $0x400, $0x200038;
	[tilespmem:$0x1000] =	vst v63  }
0x157: {  	p0 =	sne.s32 s9, s5;
	_ =	strace $0x9000004C  }
.Ltmp2:
0x158: {  	_ =	strace $0x8000004E;
	(pc) =	sbr.rel @p0 .LBB2_2-.Ltmp2, $4  }
0x159: {  	_ =	swait.ge [sflag:s8], $0x400  }
0x15a: {  	[sflag:s8] =	ssyncset.done $0x0  }
0x15b: {  	[sflag:s8] =	ssyncadd.s32 $0xFFFFFC00  }
0x15c: {  	_ =	strace $0x9000004E  }
.LBB2_5:
0x15d: {  	_ =	sfence.sel $0x180000  }
0x15e: {  	[bflag:$0x0] =	sbarrier.arrive $0xFFFF  }
0x15f: {  	p0 =	sne.s32 s1, $0x0;
	_ =	strace $0x90000047  }
0x160: {  	s0 =	sadd.s32 @!p0 $0x100000, s0;
	[bflag:$0x2] =	sbarrier.arrive $0xFFFF  }
0x161: {  	[sflag:s0] =	ssyncadd.tile.s32 @!p0 $0x1;
	_ =	shalt  }
.Lfunc_end2:
_tile_overlayer_lowered:
.L_overlay_start_2:
0x162: {  	(tag) =	ssettag $0x2  }
0x163: {  	s0 =	rddreg [dreg:$0x0];
	s2 =	stileid.u32  }
0x164: {  	s1 =	rddreg [dreg:$0x1];
	p0 =	sne.s32 s2, $0x0  }
0x165: {  	s3 =	rddreg [dreg:$0x2];
	[bflag:$0x3] =	sbarrier.arrive $0xFFFF;
	s2 =	simm.s32 @!p0 $0x1C01  }
0x166: {  	[timem:s3], [sflag:s2] =	dma.local @!p0 [hbm:s0], s1  }
0x167: {  	s0 =	simm.s32 @!p0 $0x1  }
0x168: {  	_ =	swait.ge @!p0 [sflag:s0], s1  }
0x169: {  	s1 =	ssub.s32 @!p0 $0x0, s1;
	[sflag:s0] =	ssyncset.done @!p0 $0x0  }
0x16a: {  	[sflag:s0] =	ssyncadd.s32 @!p0 s1  }
0x16b: {  	[bflag:$0x3] =	sbarrier.arrive $0xFFFF  }
0x16c: {  	_ =	shalt  }

</sc_bundles>
